<compile_context>
chip_gen: v7x
topology: tpu7x:2x2x1
jax: 0.10.2.dev20260603
libtpu: 0.0.44.dev20260713+nightly
codegen_flags: <defaults>
</compile_context>

<pallas_src>
import jax
import jax.numpy as jnp
from jax import lax
from jax.experimental import pallas as pl
from jax.experimental.pallas import tpu as pltpu
from jax.experimental.pallas import tpu_sc as plsc

R = 3
C = 4
NNZ = 5
COLS = 1024
NS = 16
L = 16
NW = 8
W = COLS // NW


def _bcast(v, k):
    return v.at[jnp.full((L,), k, jnp.int32)].get(mode="promise_in_bounds")


def _body(x_hbm, idx_hbm, vals_hbm, out_hbm, x_v, idx_v, vals_v, out_v,
          sem, msem, osem):
    wid = lax.axis_index("s")

    @pl.when(wid < NW)
    def _():
        base = wid * W
        xcp = pltpu.async_copy(x_hbm.at[:, pl.ds(base, W)], x_v, sem)
        mcps = [
            pltpu.async_copy(idx_hbm, idx_v.at[pl.ds(0, 2 * NNZ)], msem),
            pltpu.async_copy(vals_hbm, vals_v.at[pl.ds(0, NNZ)], msem),
        ]
        for cp in mcps:
            cp.wait()

        lane = lax.iota(jnp.int32, L)
        idx = idx_v[...]
        rows = idx
        cols = idx.at[jnp.minimum(lane + NNZ, L - 1)].get(
            mode="promise_in_bounds")
        vals = vals_v[...]
        key = rows * C + cols

        hist = jnp.zeros((L,), jnp.float32)
        for k in range(NNZ):
            hist = hist + jnp.where(_bcast(key, k) == lane,
                                    _bcast(vals, k), 0.0)

        xcp.wait()

        for r in range(R):
            m = [_bcast(hist, r * C + c) for c in range(C)]
            for j in range(W // L):
                xs = [x_v[c, pl.ds(j * L, L)] for c in range(C)]
                acc = m[0] * xs[0]
                for c in range(1, C):
                    acc = acc + m[c] * xs[c]
                out_v[r, pl.ds(j * L, L)] = acc

        ocp = pltpu.async_copy(out_v, out_hbm.at[:, pl.ds(base, W)], osem)
        ocp.wait()


@jax.jit
def _spmm(x, idx_flat, values):
    mesh = plsc.VectorSubcoreMesh(
        core_axis_name="c", subcore_axis_name="s",
        num_cores=1, num_subcores=NS)
    return pl.kernel(
        _body,
        out_type=jax.ShapeDtypeStruct((R, COLS), jnp.float32),
        mesh=mesh,
        compiler_params=pltpu.CompilerParams(
            skip_device_barrier=True,
            disable_semaphore_checks=True,
        ),
        scratch_types=[
            pltpu.VMEM((C, W), jnp.float32),
            pltpu.VMEM((L,), jnp.int32),
            pltpu.VMEM((L,), jnp.float32),
            pltpu.VMEM((R, W), jnp.float32),
            pltpu.SemaphoreType.DMA,
            pltpu.SemaphoreType.DMA,
            pltpu.SemaphoreType.DMA,
        ],
    )(x, idx_flat, values)


def kernel(x, indices, values):
    return _spmm(x, indices.reshape(2 * NNZ), values)

# --- scband reference (transcript-rebuilt; emitter-appended) ---
"""Pipeline reference for scband-sparse-layer-89687507075413 (READ-ONLY COPY).

The authoritative reference and input builder live on the scoring server;
editing this copy changes nothing except your own understanding.
"""

import jax, jax.numpy as jnp
import numpy as np


def setup_inputs(seed: int = 0) -> dict:
    key = jax.random.key(seed)
    x = jax.random.normal(key, (4, 1024), dtype=jnp.float32)
    # Fixed sparse matrix defined in the module __init__
    indices = jnp.array([[0, 1, 2, 0, 2], [0, 1, 2, 3, 3]], dtype=jnp.int32)  # [2, nnz]: row0=rows, row1=cols
    values = jnp.full((5,), 0.1, dtype=jnp.float32)  # learned Parameter
    return {"x": x, "indices": indices, "values": values}


def reference(x, indices, values):
    # Equivalent of util.SparseMult()(indices, values, size=[3,4], x):
    # out = sparse_coo([3,4], indices, values) @ x
    rows = indices[0]
    cols = indices[1]
    gathered = values[:, None] * jnp.take(x, cols, axis=0)  # [nnz, C]
    out = jnp.zeros((3, x.shape[1]), dtype=x.dtype).at[rows].add(gathered)
    return out

if __name__ == "__main__":
    import jax
    _d = setup_inputs()
    print(jax.jit(kernel)(*tuple(_d.values())))

</pallas_src>

<mosaic_0001>
#map = affine_map<(d0, d1) -> (0, 0)>
#map1 = affine_map<(d0, d1) -> (0)>
module attributes {stable_mosaic.version = 14 : i64} {
  func.func @_body(%arg0: i32, %arg1: i32, %arg2: memref<4x1024xf32, #tpu.memory_space<hbm>>, %arg3: memref<10xi32, #tpu.memory_space<hbm>>, %arg4: memref<5xf32, #tpu.memory_space<hbm>>, %arg5: memref<3x1024xf32, #tpu.memory_space<hbm>>, %arg6: memref<4x128xf32, #tpu.memory_space<vmem>>, %arg7: memref<16xi32, #tpu.memory_space<vmem>>, %arg8: memref<16xf32, #tpu.memory_space<vmem>>, %arg9: memref<3x128xf32, #tpu.memory_space<vmem>>, %arg10: memref<!tpu.dma_semaphore, #tpu.memory_space<semaphore_mem>>, %arg11: memref<!tpu.dma_semaphore, #tpu.memory_space<semaphore_mem>>, %arg12: memref<!tpu.dma_semaphore, #tpu.memory_space<semaphore_mem>>) attributes {dimension_semantics = [#tpu.dimension_semantics<core_parallel>, #tpu.dimension_semantics<subcore_parallel>], iteration_bounds = array<i64: 1, 16>, scalar_prefetch = 0 : i64, scratch_operands = 7 : i64, tpu.core_type = #tpu.core_type<sc_vector_subcore>, window_params = [{transform_indices = #map}, {transform_indices = #map1}, {transform_indices = #map1}, {transform_indices = #map}]} {
    %lt3A = arith.constant 8 : i32
    %lt3A_0 = arith.cmpi slt, %arg1, %lt3A : i32
    %convert_element_type3A = arith.extui %lt3A_0 : i1 to i32
    %cond3A = arith.constant 0 : i32
    %cond3A_1 = arith.cmpi ne, %convert_element_type3A, %cond3A : i32
    scf.if %cond3A_1 {
      %mul3A = arith.constant 128 : i32
      %mul3A_2 = arith.muli %arg1, %mul3A : i32
      %dma_start3A = arith.constant 0 : i32
      %dma_start3A_3 = tpu.memref_slice %arg2[%dma_start3A, %mul3A_2] : memref<4x1024xf32, #tpu.memory_space<hbm>> -> memref<4x128xf32, #tpu.memory_space<hbm>>
      %dma_start3A_4 = arith.constant 0 : i32
      %dma_start3A_5 = tpu.memref_slice %arg2[%dma_start3A_4, %mul3A_2] : memref<4x1024xf32, #tpu.memory_space<hbm>> -> memref<4x128xf32, #tpu.memory_space<hbm>>
      tpu.enqueue_dma source(%dma_start3A_5 : memref<4x128xf32, #tpu.memory_space<hbm>>) target(%arg6 : memref<4x128xf32, #tpu.memory_space<vmem>>) target_semaphore(%arg10 : memref<!tpu.dma_semaphore, #tpu.memory_space<semaphore_mem>>)
      %dma_start3A_6 = arith.constant 0 : i32
      %dma_start3A_7 = tpu.memref_slice %arg7[%dma_start3A_6] : memref<16xi32, #tpu.memory_space<vmem>> -> memref<10xi32, #tpu.memory_space<vmem>>
      %dma_start3A_8 = arith.constant 0 : i32
      %dma_start3A_9 = tpu.memref_slice %arg7[%dma_start3A_8] : memref<16xi32, #tpu.memory_space<vmem>> -> memref<10xi32, #tpu.memory_space<vmem>>
      tpu.enqueue_dma source(%arg3 : memref<10xi32, #tpu.memory_space<hbm>>) target(%dma_start3A_9 : memref<10xi32, #tpu.memory_space<vmem>>) target_semaphore(%arg11 : memref<!tpu.dma_semaphore, #tpu.memory_space<semaphore_mem>>)
      %dma_start3A_10 = arith.constant 0 : i32
      %dma_start3A_11 = tpu.memref_slice %arg8[%dma_start3A_10] : memref<16xf32, #tpu.memory_space<vmem>> -> memref<5xf32, #tpu.memory_space<vmem>>
      %dma_start3A_12 = arith.constant 0 : i32
      %dma_start3A_13 = tpu.memref_slice %arg8[%dma_start3A_12] : memref<16xf32, #tpu.memory_space<vmem>> -> memref<5xf32, #tpu.memory_space<vmem>>
      tpu.enqueue_dma source(%arg4 : memref<5xf32, #tpu.memory_space<hbm>>) target(%dma_start3A_13 : memref<5xf32, #tpu.memory_space<vmem>>) target_semaphore(%arg11 : memref<!tpu.dma_semaphore, #tpu.memory_space<semaphore_mem>>)
      %dma_wait3A = arith.constant 0 : i32
      %dma_wait3A_14 = tpu.memref_slice %arg7[%dma_wait3A] : memref<16xi32, #tpu.memory_space<vmem>> -> memref<10xi32, #tpu.memory_space<vmem>>
      %dma_wait3A_15 = arith.constant 0 : i32
      %dma_wait3A_16 = tpu.memref_slice %arg7[%dma_wait3A_15] : memref<16xi32, #tpu.memory_space<vmem>> -> memref<10xi32, #tpu.memory_space<vmem>>
      tpu.wait_dma2 semaphore(%arg11 : memref<!tpu.dma_semaphore, #tpu.memory_space<semaphore_mem>>) src(%arg3 : memref<10xi32, #tpu.memory_space<hbm>>) dst(%dma_wait3A_16 : memref<10xi32, #tpu.memory_space<vmem>>)
      %dma_wait3A_17 = arith.constant 0 : i32
      %dma_wait3A_18 = tpu.memref_slice %arg8[%dma_wait3A_17] : memref<16xf32, #tpu.memory_space<vmem>> -> memref<5xf32, #tpu.memory_space<vmem>>
      %dma_wait3A_19 = arith.constant 0 : i32
      %dma_wait3A_20 = tpu.memref_slice %arg8[%dma_wait3A_19] : memref<16xf32, #tpu.memory_space<vmem>> -> memref<5xf32, #tpu.memory_space<vmem>>
      tpu.wait_dma2 semaphore(%arg11 : memref<!tpu.dma_semaphore, #tpu.memory_space<semaphore_mem>>) src(%arg4 : memref<5xf32, #tpu.memory_space<hbm>>) dst(%dma_wait3A_20 : memref<5xf32, #tpu.memory_space<vmem>>)
      %iota3A = tpu.iota {dimensions = array<i32: 0>} : vector<16xi32>
      %get3A = arith.constant 0 : index
      %get3A_21 = tpu.vector_load %arg7[%get3A] {strides = array<i32>} : memref<16xi32, #tpu.memory_space<vmem>>, vector<16xi32>,
      %get3A_22 = vector.shape_cast %get3A_21 : vector<16xi32> to vector<16xi32>
      %add3A = arith.constant 5 : i32
      %add3A_23 = vector.broadcast %add3A : i32 to vector<16xi32>
      %add3A_24 = arith.addi %iota3A, %add3A_23 : vector<16xi32>
      %min3A = arith.constant 15 : i32
      %min3A_25 = vector.broadcast %min3A : i32 to vector<16xi32>
      %min3A_26 = arith.minsi %add3A_24, %min3A_25 : vector<16xi32>
      %lt3A_27 = arith.constant 0 : i32
      %lt3A_28 = vector.broadcast %lt3A_27 : i32 to vector<16xi32>
      %lt3A_29 = arith.cmpi slt, %min3A_26, %lt3A_28 : vector<16xi32>
      %add3A_30 = arith.constant 16 : i32
      %add3A_31 = vector.broadcast %add3A_30 : i32 to vector<16xi32>
      %add3A_32 = arith.addi %min3A_26, %add3A_31 : vector<16xi32>
      %select_n3A = arith.select %lt3A_29, %add3A_32, %min3A_26 : vector<16xi1>, vector<16xi32>
      %broadcast_in_dim3A = vector.shape_cast %select_n3A : vector<16xi32> to vector<16x1xi32>
      %gather3A = vector.shape_cast %broadcast_in_dim3A : vector<16x1xi32> to vector<16xi32>
      %gather3A_33 = tpu.dynamic_gather %get3A_22[%gather3A] in [0] : vector<16xi32>, vector<16xi32> -> vector<16xi32>
      %get3A_34 = arith.constant 0 : index
      %get3A_35 = tpu.vector_load %arg8[%get3A_34] {strides = array<i32>} : memref<16xf32, #tpu.memory_space<vmem>>, vector<16xf32>,
      %get3A_36 = vector.shape_cast %get3A_35 : vector<16xf32> to vector<16xf32>
      %mul3A_37 = arith.constant 4 : i32
      %mul3A_38 = vector.broadcast %mul3A_37 : i32 to vector<16xi32>
      %mul3A_39 = arith.muli %get3A_22, %mul3A_38 : vector<16xi32>
      %add3A_40 = arith.addi %mul3A_39, %gather3A_33 : vector<16xi32>
      %broadcast_in_dim3A_41 = arith.constant 0.000000e+00 : f32
      %broadcast_in_dim3A_42 = vector.broadcast %broadcast_in_dim3A_41 : f32 to vector<16xf32>
      %broadcast_in_dim3A_43 = arith.constant 0 : i32
      %broadcast_in_dim3A_44 = vector.broadcast %broadcast_in_dim3A_43 : i32 to vector<16xi32>
      %lt3A_45 = arith.constant 0 : i32
      %lt3A_46 = vector.broadcast %lt3A_45 : i32 to vector<16xi32>
      %lt3A_47 = arith.cmpi slt, %broadcast_in_dim3A_44, %lt3A_46 : vector<16xi32>
      %add3A_48 = arith.constant 16 : i32
      %add3A_49 = vector.broadcast %add3A_48 : i32 to vector<16xi32>
      %add3A_50 = arith.addi %broadcast_in_dim3A_44, %add3A_49 : vector<16xi32>
      %select_n3A_51 = arith.select %lt3A_47, %add3A_50, %broadcast_in_dim3A_44 : vector<16xi1>, vector<16xi32>
      %broadcast_in_dim3A_52 = vector.shape_cast %select_n3A_51 : vector<16xi32> to vector<16x1xi32>
      %gather3A_53 = vector.shape_cast %broadcast_in_dim3A_52 : vector<16x1xi32> to vector<16xi32>
      %gather3A_54 = tpu.dynamic_gather %add3A_40[%gather3A_53] in [0] : vector<16xi32>, vector<16xi32> -> vector<16xi32>
      %eq3A = arith.cmpi eq, %gather3A_54, %iota3A : vector<16xi32>
      %broadcast_in_dim3A_55 = arith.constant 0 : i32
      %broadcast_in_dim3A_56 = vector.broadcast %broadcast_in_dim3A_55 : i32 to vector<16xi32>
      %lt3A_57 = arith.constant 0 : i32
      %lt3A_58 = vector.broadcast %lt3A_57 : i32 to vector<16xi32>
      %lt3A_59 = arith.cmpi slt, %broadcast_in_dim3A_56, %lt3A_58 : vector<16xi32>
      %add3A_60 = arith.constant 16 : i32
      %add3A_61 = vector.broadcast %add3A_60 : i32 to vector<16xi32>
      %add3A_62 = arith.addi %broadcast_in_dim3A_56, %add3A_61 : vector<16xi32>
      %select_n3A_63 = arith.select %lt3A_59, %add3A_62, %broadcast_in_dim3A_56 : vector<16xi1>, vector<16xi32>
      %broadcast_in_dim3A_64 = vector.shape_cast %select_n3A_63 : vector<16xi32> to vector<16x1xi32>
      %gather3A_65 = vector.shape_cast %broadcast_in_dim3A_64 : vector<16x1xi32> to vector<16xi32>
      %gather3A_66 = tpu.dynamic_gather %get3A_36[%gather3A_65] in [0] : vector<16xf32>, vector<16xi32> -> vector<16xf32>
      %jit3A = arith.constant 0.000000e+00 : f32
      %broadcast_in_dim3A_67 = vector.broadcast %jit3A : f32 to vector<16xf32>
      %select_n3A_68 = arith.select %eq3A, %gather3A_66, %broadcast_in_dim3A_67 : vector<16xi1>, vector<16xf32>
      %add3A_69 = arith.addf %broadcast_in_dim3A_42, %select_n3A_68 : vector<16xf32>
      %broadcast_in_dim3A_70 = arith.constant 1 : i32
      %broadcast_in_dim3A_71 = vector.broadcast %broadcast_in_dim3A_70 : i32 to vector<16xi32>
      %lt3A_72 = arith.constant 0 : i32
      %lt3A_73 = vector.broadcast %lt3A_72 : i32 to vector<16xi32>
      %lt3A_74 = arith.cmpi slt, %broadcast_in_dim3A_71, %lt3A_73 : vector<16xi32>
      %add3A_75 = arith.constant 16 : i32
      %add3A_76 = vector.broadcast %add3A_75 : i32 to vector<16xi32>
      %add3A_77 = arith.addi %broadcast_in_dim3A_71, %add3A_76 : vector<16xi32>
      %select_n3A_78 = arith.select %lt3A_74, %add3A_77, %broadcast_in_dim3A_71 : vector<16xi1>, vector<16xi32>
      %broadcast_in_dim3A_79 = vector.shape_cast %select_n3A_78 : vector<16xi32> to vector<16x1xi32>
      %gather3A_80 = vector.shape_cast %broadcast_in_dim3A_79 : vector<16x1xi32> to vector<16xi32>
      %gather3A_81 = tpu.dynamic_gather %add3A_40[%gather3A_80] in [0] : vector<16xi32>, vector<16xi32> -> vector<16xi32>
      %eq3A_82 = arith.cmpi eq, %gather3A_81, %iota3A : vector<16xi32>
      %broadcast_in_dim3A_83 = arith.constant 1 : i32
      %broadcast_in_dim3A_84 = vector.broadcast %broadcast_in_dim3A_83 : i32 to vector<16xi32>
      %lt3A_85 = arith.constant 0 : i32
      %lt3A_86 = vector.broadcast %lt3A_85 : i32 to vector<16xi32>
      %lt3A_87 = arith.cmpi slt, %broadcast_in_dim3A_84, %lt3A_86 : vector<16xi32>
      %add3A_88 = arith.constant 16 : i32
      %add3A_89 = vector.broadcast %add3A_88 : i32 to vector<16xi32>
      %add3A_90 = arith.addi %broadcast_in_dim3A_84, %add3A_89 : vector<16xi32>
      %select_n3A_91 = arith.select %lt3A_87, %add3A_90, %broadcast_in_dim3A_84 : vector<16xi1>, vector<16xi32>
      %broadcast_in_dim3A_92 = vector.shape_cast %select_n3A_91 : vector<16xi32> to vector<16x1xi32>
      %gather3A_93 = vector.shape_cast %broadcast_in_dim3A_92 : vector<16x1xi32> to vector<16xi32>
      %gather3A_94 = tpu.dynamic_gather %get3A_36[%gather3A_93] in [0] : vector<16xf32>, vector<16xi32> -> vector<16xf32>
      %jit3A_95 = arith.constant 0.000000e+00 : f32
      %broadcast_in_dim3A_96 = vector.broadcast %jit3A_95 : f32 to vector<16xf32>
      %select_n3A_97 = arith.select %eq3A_82, %gather3A_94, %broadcast_in_dim3A_96 : vector<16xi1>, vector<16xf32>
      %add3A_98 = arith.addf %add3A_69, %select_n3A_97 : vector<16xf32>
      %broadcast_in_dim3A_99 = arith.constant 2 : i32
      %broadcast_in_dim3A_100 = vector.broadcast %broadcast_in_dim3A_99 : i32 to vector<16xi32>
      %lt3A_101 = arith.constant 0 : i32
      %lt3A_102 = vector.broadcast %lt3A_101 : i32 to vector<16xi32>
      %lt3A_103 = arith.cmpi slt, %broadcast_in_dim3A_100, %lt3A_102 : vector<16xi32>
      %add3A_104 = arith.constant 16 : i32
      %add3A_105 = vector.broadcast %add3A_104 : i32 to vector<16xi32>
      %add3A_106 = arith.addi %broadcast_in_dim3A_100, %add3A_105 : vector<16xi32>
      %select_n3A_107 = arith.select %lt3A_103, %add3A_106, %broadcast_in_dim3A_100 : vector<16xi1>, vector<16xi32>
      %broadcast_in_dim3A_108 = vector.shape_cast %select_n3A_107 : vector<16xi32> to vector<16x1xi32>
      %gather3A_109 = vector.shape_cast %broadcast_in_dim3A_108 : vector<16x1xi32> to vector<16xi32>
      %gather3A_110 = tpu.dynamic_gather %add3A_40[%gather3A_109] in [0] : vector<16xi32>, vector<16xi32> -> vector<16xi32>
      %eq3A_111 = arith.cmpi eq, %gather3A_110, %iota3A : vector<16xi32>
      %broadcast_in_dim3A_112 = arith.constant 2 : i32
      %broadcast_in_dim3A_113 = vector.broadcast %broadcast_in_dim3A_112 : i32 to vector<16xi32>
      %lt3A_114 = arith.constant 0 : i32
      %lt3A_115 = vector.broadcast %lt3A_114 : i32 to vector<16xi32>
      %lt3A_116 = arith.cmpi slt, %broadcast_in_dim3A_113, %lt3A_115 : vector<16xi32>
      %add3A_117 = arith.constant 16 : i32
      %add3A_118 = vector.broadcast %add3A_117 : i32 to vector<16xi32>
      %add3A_119 = arith.addi %broadcast_in_dim3A_113, %add3A_118 : vector<16xi32>
      %select_n3A_120 = arith.select %lt3A_116, %add3A_119, %broadcast_in_dim3A_113 : vector<16xi1>, vector<16xi32>
      %broadcast_in_dim3A_121 = vector.shape_cast %select_n3A_120 : vector<16xi32> to vector<16x1xi32>
      %gather3A_122 = vector.shape_cast %broadcast_in_dim3A_121 : vector<16x1xi32> to vector<16xi32>
      %gather3A_123 = tpu.dynamic_gather %get3A_36[%gather3A_122] in [0] : vector<16xf32>, vector<16xi32> -> vector<16xf32>
      %jit3A_124 = arith.constant 0.000000e+00 : f32
      %broadcast_in_dim3A_125 = vector.broadcast %jit3A_124 : f32 to vector<16xf32>
      %select_n3A_126 = arith.select %eq3A_111, %gather3A_123, %broadcast_in_dim3A_125 : vector<16xi1>, vector<16xf32>
      %add3A_127 = arith.addf %add3A_98, %select_n3A_126 : vector<16xf32>
      %broadcast_in_dim3A_128 = arith.constant 3 : i32
      %broadcast_in_dim3A_129 = vector.broadcast %broadcast_in_dim3A_128 : i32 to vector<16xi32>
      %lt3A_130 = arith.constant 0 : i32
      %lt3A_131 = vector.broadcast %lt3A_130 : i32 to vector<16xi32>
      %lt3A_132 = arith.cmpi slt, %broadcast_in_dim3A_129, %lt3A_131 : vector<16xi32>
      %add3A_133 = arith.constant 16 : i32
      %add3A_134 = vector.broadcast %add3A_133 : i32 to vector<16xi32>
      %add3A_135 = arith.addi %broadcast_in_dim3A_129, %add3A_134 : vector<16xi32>
      %select_n3A_136 = arith.select %lt3A_132, %add3A_135, %broadcast_in_dim3A_129 : vector<16xi1>, vector<16xi32>
      %broadcast_in_dim3A_137 = vector.shape_cast %select_n3A_136 : vector<16xi32> to vector<16x1xi32>
      %gather3A_138 = vector.shape_cast %broadcast_in_dim3A_137 : vector<16x1xi32> to vector<16xi32>
      %gather3A_139 = tpu.dynamic_gather %add3A_40[%gather3A_138] in [0] : vector<16xi32>, vector<16xi32> -> vector<16xi32>
      %eq3A_140 = arith.cmpi eq, %gather3A_139, %iota3A : vector<16xi32>
      %broadcast_in_dim3A_141 = arith.constant 3 : i32
      %broadcast_in_dim3A_142 = vector.broadcast %broadcast_in_dim3A_141 : i32 to vector<16xi32>
      %lt3A_143 = arith.constant 0 : i32
      %lt3A_144 = vector.broadcast %lt3A_143 : i32 to vector<16xi32>
      %lt3A_145 = arith.cmpi slt, %broadcast_in_dim3A_142, %lt3A_144 : vector<16xi32>
      %add3A_146 = arith.constant 16 : i32
      %add3A_147 = vector.broadcast %add3A_146 : i32 to vector<16xi32>
      %add3A_148 = arith.addi %broadcast_in_dim3A_142, %add3A_147 : vector<16xi32>
      %select_n3A_149 = arith.select %lt3A_145, %add3A_148, %broadcast_in_dim3A_142 : vector<16xi1>, vector<16xi32>
      %broadcast_in_dim3A_150 = vector.shape_cast %select_n3A_149 : vector<16xi32> to vector<16x1xi32>
      %gather3A_151 = vector.shape_cast %broadcast_in_dim3A_150 : vector<16x1xi32> to vector<16xi32>
      %gather3A_152 = tpu.dynamic_gather %get3A_36[%gather3A_151] in [0] : vector<16xf32>, vector<16xi32> -> vector<16xf32>
      %jit3A_153 = arith.constant 0.000000e+00 : f32
      %broadcast_in_dim3A_154 = vector.broadcast %jit3A_153 : f32 to vector<16xf32>
      %select_n3A_155 = arith.select %eq3A_140, %gather3A_152, %broadcast_in_dim3A_154 : vector<16xi1>, vector<16xf32>
      %add3A_156 = arith.addf %add3A_127, %select_n3A_155 : vector<16xf32>
      %broadcast_in_dim3A_157 = arith.constant 4 : i32
      %broadcast_in_dim3A_158 = vector.broadcast %broadcast_in_dim3A_157 : i32 to vector<16xi32>
      %lt3A_159 = arith.constant 0 : i32
      %lt3A_160 = vector.broadcast %lt3A_159 : i32 to vector<16xi32>
      %lt3A_161 = arith.cmpi slt, %broadcast_in_dim3A_158, %lt3A_160 : vector<16xi32>
      %add3A_162 = arith.constant 16 : i32
      %add3A_163 = vector.broadcast %add3A_162 : i32 to vector<16xi32>
      %add3A_164 = arith.addi %broadcast_in_dim3A_158, %add3A_163 : vector<16xi32>
      %select_n3A_165 = arith.select %lt3A_161, %add3A_164, %broadcast_in_dim3A_158 : vector<16xi1>, vector<16xi32>
      %broadcast_in_dim3A_166 = vector.shape_cast %select_n3A_165 : vector<16xi32> to vector<16x1xi32>
      %gather3A_167 = vector.shape_cast %broadcast_in_dim3A_166 : vector<16x1xi32> to vector<16xi32>
      %gather3A_168 = tpu.dynamic_gather %add3A_40[%gather3A_167] in [0] : vector<16xi32>, vector<16xi32> -> vector<16xi32>
      %eq3A_169 = arith.cmpi eq, %gather3A_168, %iota3A : vector<16xi32>
      %broadcast_in_dim3A_170 = arith.constant 4 : i32
      %broadcast_in_dim3A_171 = vector.broadcast %broadcast_in_dim3A_170 : i32 to vector<16xi32>
      %lt3A_172 = arith.constant 0 : i32
      %lt3A_173 = vector.broadcast %lt3A_172 : i32 to vector<16xi32>
      %lt3A_174 = arith.cmpi slt, %broadcast_in_dim3A_171, %lt3A_173 : vector<16xi32>
      %add3A_175 = arith.constant 16 : i32
      %add3A_176 = vector.broadcast %add3A_175 : i32 to vector<16xi32>
      %add3A_177 = arith.addi %broadcast_in_dim3A_171, %add3A_176 : vector<16xi32>
      %select_n3A_178 = arith.select %lt3A_174, %add3A_177, %broadcast_in_dim3A_171 : vector<16xi1>, vector<16xi32>
      %broadcast_in_dim3A_179 = vector.shape_cast %select_n3A_178 : vector<16xi32> to vector<16x1xi32>
      %gather3A_180 = vector.shape_cast %broadcast_in_dim3A_179 : vector<16x1xi32> to vector<16xi32>
      %gather3A_181 = tpu.dynamic_gather %get3A_36[%gather3A_180] in [0] : vector<16xf32>, vector<16xi32> -> vector<16xf32>
      %jit3A_182 = arith.constant 0.000000e+00 : f32
      %broadcast_in_dim3A_183 = vector.broadcast %jit3A_182 : f32 to vector<16xf32>
      %select_n3A_184 = arith.select %eq3A_169, %gather3A_181, %broadcast_in_dim3A_183 : vector<16xi1>, vector<16xf32>
      %add3A_185 = arith.addf %add3A_156, %select_n3A_184 : vector<16xf32>
      %dma_wait3A_186 = arith.constant 0 : i32
      %dma_wait3A_187 = tpu.memref_slice %arg2[%dma_wait3A_186, %mul3A_2] : memref<4x1024xf32, #tpu.memory_space<hbm>> -> memref<4x128xf32, #tpu.memory_space<hbm>>
      %dma_wait3A_188 = arith.constant 0 : i32
      %dma_wait3A_189 = tpu.memref_slice %arg2[%dma_wait3A_188, %mul3A_2] : memref<4x1024xf32, #tpu.memory_space<hbm>> -> memref<4x128xf32, #tpu.memory_space<hbm>>
      tpu.wait_dma2 semaphore(%arg10 : memref<!tpu.dma_semaphore, #tpu.memory_space<semaphore_mem>>) src(%dma_wait3A_189 : memref<4x128xf32, #tpu.memory_space<hbm>>) dst(%arg6 : memref<4x128xf32, #tpu.memory_space<vmem>>)
      %broadcast_in_dim3A_190 = arith.constant 0 : i32
      %broadcast_in_dim3A_191 = vector.broadcast %broadcast_in_dim3A_190 : i32 to vector<16xi32>
      %lt3A_192 = arith.constant 0 : i32
      %lt3A_193 = vector.broadcast %lt3A_192 : i32 to vector<16xi32>
      %lt3A_194 = arith.cmpi slt, %broadcast_in_dim3A_191, %lt3A_193 : vector<16xi32>
      %add3A_195 = arith.constant 16 : i32
      %add3A_196 = vector.broadcast %add3A_195 : i32 to vector<16xi32>
      %add3A_197 = arith.addi %broadcast_in_dim3A_191, %add3A_196 : vector<16xi32>
      %select_n3A_198 = arith.select %lt3A_194, %add3A_197, %broadcast_in_dim3A_191 : vector<16xi1>, vector<16xi32>
      %broadcast_in_dim3A_199 = vector.shape_cast %select_n3A_198 : vector<16xi32> to vector<16x1xi32>
      %gather3A_200 = vector.shape_cast %broadcast_in_dim3A_199 : vector<16x1xi32> to vector<16xi32>
      %gather3A_201 = tpu.dynamic_gather %add3A_185[%gather3A_200] in [0] : vector<16xf32>, vector<16xi32> -> vector<16xf32>
      %broadcast_in_dim3A_202 = arith.constant 1 : i32
      %broadcast_in_dim3A_203 = vector.broadcast %broadcast_in_dim3A_202 : i32 to vector<16xi32>
      %lt3A_204 = arith.constant 0 : i32
      %lt3A_205 = vector.broadcast %lt3A_204 : i32 to vector<16xi32>
      %lt3A_206 = arith.cmpi slt, %broadcast_in_dim3A_203, %lt3A_205 : vector<16xi32>
      %add3A_207 = arith.constant 16 : i32
      %add3A_208 = vector.broadcast %add3A_207 : i32 to vector<16xi32>
      %add3A_209 = arith.addi %broadcast_in_dim3A_203, %add3A_208 : vector<16xi32>
      %select_n3A_210 = arith.select %lt3A_206, %add3A_209, %broadcast_in_dim3A_203 : vector<16xi1>, vector<16xi32>
      %broadcast_in_dim3A_211 = vector.shape_cast %select_n3A_210 : vector<16xi32> to vector<16x1xi32>
      %gather3A_212 = vector.shape_cast %broadcast_in_dim3A_211 : vector<16x1xi32> to vector<16xi32>
      %gather3A_213 = tpu.dynamic_gather %add3A_185[%gather3A_212] in [0] : vector<16xf32>, vector<16xi32> -> vector<16xf32>
      %broadcast_in_dim3A_214 = arith.constant 2 : i32
      %broadcast_in_dim3A_215 = vector.broadcast %broadcast_in_dim3A_214 : i32 to vector<16xi32>
      %lt3A_216 = arith.constant 0 : i32
      %lt3A_217 = vector.broadcast %lt3A_216 : i32 to vector<16xi32>
      %lt3A_218 = arith.cmpi slt, %broadcast_in_dim3A_215, %lt3A_217 : vector<16xi32>
      %add3A_219 = arith.constant 16 : i32
      %add3A_220 = vector.broadcast %add3A_219 : i32 to vector<16xi32>
      %add3A_221 = arith.addi %broadcast_in_dim3A_215, %add3A_220 : vector<16xi32>
      %select_n3A_222 = arith.select %lt3A_218, %add3A_221, %broadcast_in_dim3A_215 : vector<16xi1>, vector<16xi32>
      %broadcast_in_dim3A_223 = vector.shape_cast %select_n3A_222 : vector<16xi32> to vector<16x1xi32>
      %gather3A_224 = vector.shape_cast %broadcast_in_dim3A_223 : vector<16x1xi32> to vector<16xi32>
      %gather3A_225 = tpu.dynamic_gather %add3A_185[%gather3A_224] in [0] : vector<16xf32>, vector<16xi32> -> vector<16xf32>
      %broadcast_in_dim3A_226 = arith.constant 3 : i32
      %broadcast_in_dim3A_227 = vector.broadcast %broadcast_in_dim3A_226 : i32 to vector<16xi32>
      %lt3A_228 = arith.constant 0 : i32
      %lt3A_229 = vector.broadcast %lt3A_228 : i32 to vector<16xi32>
      %lt3A_230 = arith.cmpi slt, %broadcast_in_dim3A_227, %lt3A_229 : vector<16xi32>
      %add3A_231 = arith.constant 16 : i32
      %add3A_232 = vector.broadcast %add3A_231 : i32 to vector<16xi32>
      %add3A_233 = arith.addi %broadcast_in_dim3A_227, %add3A_232 : vector<16xi32>
      %select_n3A_234 = arith.select %lt3A_230, %add3A_233, %broadcast_in_dim3A_227 : vector<16xi1>, vector<16xi32>
      %broadcast_in_dim3A_235 = vector.shape_cast %select_n3A_234 : vector<16xi32> to vector<16x1xi32>
      %gather3A_236 = vector.shape_cast %broadcast_in_dim3A_235 : vector<16x1xi32> to vector<16xi32>
      %gather3A_237 = tpu.dynamic_gather %add3A_185[%gather3A_236] in [0] : vector<16xf32>, vector<16xi32> -> vector<16xf32>
      %get3A_238 = arith.constant 0 : i32
      %get3A_239 = arith.index_cast %get3A_238 : i32 to index
      %get3A_240 = arith.constant 0 : index
      %get3A_241 = tpu.vector_load %arg6[%get3A_239, %get3A_240] {strides = array<i32>} : memref<4x128xf32, #tpu.memory_space<vmem>>, vector<1x16xf32>,
      %get3A_242 = vector.shape_cast %get3A_241 : vector<1x16xf32> to vector<16xf32>
      %get3A_243 = arith.constant 1 : i32
      %get3A_244 = arith.index_cast %get3A_243 : i32 to index
      %get3A_245 = arith.constant 0 : index
      %get3A_246 = tpu.vector_load %arg6[%get3A_244, %get3A_245] {strides = array<i32>} : memref<4x128xf32, #tpu.memory_space<vmem>>, vector<1x16xf32>,
      %get3A_247 = vector.shape_cast %get3A_246 : vector<1x16xf32> to vector<16xf32>
      %get3A_248 = arith.constant 2 : i32
      %get3A_249 = arith.index_cast %get3A_248 : i32 to index
      %get3A_250 = arith.constant 0 : index
      %get3A_251 = tpu.vector_load %arg6[%get3A_249, %get3A_250] {strides = array<i32>} : memref<4x128xf32, #tpu.memory_space<vmem>>, vector<1x16xf32>,
      %get3A_252 = vector.shape_cast %get3A_251 : vector<1x16xf32> to vector<16xf32>
      %get3A_253 = arith.constant 3 : i32
      %get3A_254 = arith.index_cast %get3A_253 : i32 to index
      %get3A_255 = arith.constant 0 : index
      %get3A_256 = tpu.vector_load %arg6[%get3A_254, %get3A_255] {strides = array<i32>} : memref<4x128xf32, #tpu.memory_space<vmem>>, vector<1x16xf32>,
      %get3A_257 = vector.shape_cast %get3A_256 : vector<1x16xf32> to vector<16xf32>
      %mul3A_258 = arith.mulf %gather3A_201, %get3A_242 : vector<16xf32>
      %mul3A_259 = arith.mulf %gather3A_213, %get3A_247 : vector<16xf32>
      %add3A_260 = arith.addf %mul3A_258, %mul3A_259 : vector<16xf32>
      %mul3A_261 = arith.mulf %gather3A_225, %get3A_252 : vector<16xf32>
      %add3A_262 = arith.addf %add3A_260, %mul3A_261 : vector<16xf32>
      %mul3A_263 = arith.mulf %gather3A_237, %get3A_257 : vector<16xf32>
      %add3A_264 = arith.addf %add3A_262, %mul3A_263 : vector<16xf32>
      %swap3A = arith.constant 0 : i32
      %swap3A_265 = arith.index_cast %swap3A : i32 to index
      %swap3A_266 = arith.constant 0 : index
      %swap3A_267 = tpu.vector_load %arg9[%swap3A_265, %swap3A_266] {strides = array<i32>} : memref<3x128xf32, #tpu.memory_space<vmem>>, vector<1x16xf32>,
      %swap3A_268 = vector.shape_cast %swap3A_267 : vector<1x16xf32> to vector<16xf32>
      %swap3A_269 = vector.shape_cast %add3A_264 : vector<16xf32> to vector<1x16xf32>
      tpu.vector_store %arg9[%swap3A_265, %swap3A_266], %swap3A_269 {strides = array<i32>} : memref<3x128xf32, #tpu.memory_space<vmem>>, vector<1x16xf32>,
      %get3A_270 = arith.constant 0 : i32
      %get3A_271 = arith.index_cast %get3A_270 : i32 to index
      %get3A_272 = arith.constant 16 : index
      %get3A_273 = tpu.vector_load %arg6[%get3A_271, %get3A_272] {strides = array<i32>} : memref<4x128xf32, #tpu.memory_space<vmem>>, vector<1x16xf32>,
      %get3A_274 = vector.shape_cast %get3A_273 : vector<1x16xf32> to vector<16xf32>
      %get3A_275 = arith.constant 1 : i32
      %get3A_276 = arith.index_cast %get3A_275 : i32 to index
      %get3A_277 = arith.constant 16 : index
      %get3A_278 = tpu.vector_load %arg6[%get3A_276, %get3A_277] {strides = array<i32>} : memref<4x128xf32, #tpu.memory_space<vmem>>, vector<1x16xf32>,
      %get3A_279 = vector.shape_cast %get3A_278 : vector<1x16xf32> to vector<16xf32>
      %get3A_280 = arith.constant 2 : i32
      %get3A_281 = arith.index_cast %get3A_280 : i32 to index
      %get3A_282 = arith.constant 16 : index
      %get3A_283 = tpu.vector_load %arg6[%get3A_281, %get3A_282] {strides = array<i32>} : memref<4x128xf32, #tpu.memory_space<vmem>>, vector<1x16xf32>,
      %get3A_284 = vector.shape_cast %get3A_283 : vector<1x16xf32> to vector<16xf32>
      %get3A_285 = arith.constant 3 : i32
      %get3A_286 = arith.index_cast %get3A_285 : i32 to index
      %get3A_287 = arith.constant 16 : index
      %get3A_288 = tpu.vector_load %arg6[%get3A_286, %get3A_287] {strides = array<i32>} : memref<4x128xf32, #tpu.memory_space<vmem>>, vector<1x16xf32>,
      %get3A_289 = vector.shape_cast %get3A_288 : vector<1x16xf32> to vector<16xf32>
      %mul3A_290 = arith.mulf %gather3A_201, %get3A_274 : vector<16xf32>
      %mul3A_291 = arith.mulf %gather3A_213, %get3A_279 : vector<16xf32>
      %add3A_292 = arith.addf %mul3A_290, %mul3A_291 : vector<16xf32>
      %mul3A_293 = arith.mulf %gather3A_225, %get3A_284 : vector<16xf32>
      %add3A_294 = arith.addf %add3A_292, %mul3A_293 : vector<16xf32>
      %mul3A_295 = arith.mulf %gather3A_237, %get3A_289 : vector<16xf32>
      %add3A_296 = arith.addf %add3A_294, %mul3A_295 : vector<16xf32>
      %swap3A_297 = arith.constant 0 : i32
      %swap3A_298 = arith.index_cast %swap3A_297 : i32 to index
      %swap3A_299 = arith.constant 16 : index
      %swap3A_300 = tpu.vector_load %arg9[%swap3A_298, %swap3A_299] {strides = array<i32>} : memref<3x128xf32, #tpu.memory_space<vmem>>, vector<1x16xf32>,
      %swap3A_301 = vector.shape_cast %swap3A_300 : vector<1x16xf32> to vector<16xf32>
      %swap3A_302 = vector.shape_cast %add3A_296 : vector<16xf32> to vector<1x16xf32>
      tpu.vector_store %arg9[%swap3A_298, %swap3A_299], %swap3A_302 {strides = array<i32>} : memref<3x128xf32, #tpu.memory_space<vmem>>, vector<1x16xf32>,
      %get3A_303 = arith.constant 0 : i32
      %get3A_304 = arith.index_cast %get3A_303 : i32 to index
      %get3A_305 = arith.constant 32 : index
      %get3A_306 = tpu.vector_load %arg6[%get3A_304, %get3A_305] {strides = array<i32>} : memref<4x128xf32, #tpu.memory_space<vmem>>, vector<1x16xf32>,
      %get3A_307 = vector.shape_cast %get3A_306 : vector<1x16xf32> to vector<16xf32>
      %get3A_308 = arith.constant 1 : i32
      %get3A_309 = arith.index_cast %get3A_308 : i32 to index
      %get3A_310 = arith.constant 32 : index
      %get3A_311 = tpu.vector_load %arg6[%get3A_309, %get3A_310] {strides = array<i32>} : memref<4x128xf32, #tpu.memory_space<vmem>>, vector<1x16xf32>,
      %get3A_312 = vector.shape_cast %get3A_311 : vector<1x16xf32> to vector<16xf32>
      %get3A_313 = arith.constant 2 : i32
      %get3A_314 = arith.index_cast %get3A_313 : i32 to index
      %get3A_315 = arith.constant 32 : index
      %get3A_316 = tpu.vector_load %arg6[%get3A_314, %get3A_315] {strides = array<i32>} : memref<4x128xf32, #tpu.memory_space<vmem>>, vector<1x16xf32>,
      %get3A_317 = vector.shape_cast %get3A_316 : vector<1x16xf32> to vector<16xf32>
      %get3A_318 = arith.constant 3 : i32
      %get3A_319 = arith.index_cast %get3A_318 : i32 to index
      %get3A_320 = arith.constant 32 : index
      %get3A_321 = tpu.vector_load %arg6[%get3A_319, %get3A_320] {strides = array<i32>} : memref<4x128xf32, #tpu.memory_space<vmem>>, vector<1x16xf32>,
      %get3A_322 = vector.shape_cast %get3A_321 : vector<1x16xf32> to vector<16xf32>
      %mul3A_323 = arith.mulf %gather3A_201, %get3A_307 : vector<16xf32>
      %mul3A_324 = arith.mulf %gather3A_213, %get3A_312 : vector<16xf32>
      %add3A_325 = arith.addf %mul3A_323, %mul3A_324 : vector<16xf32>
      %mul3A_326 = arith.mulf %gather3A_225, %get3A_317 : vector<16xf32>
      %add3A_327 = arith.addf %add3A_325, %mul3A_326 : vector<16xf32>
      %mul3A_328 = arith.mulf %gather3A_237, %get3A_322 : vector<16xf32>
      %add3A_329 = arith.addf %add3A_327, %mul3A_328 : vector<16xf32>
      %swap3A_330 = arith.constant 0 : i32
      %swap3A_331 = arith.index_cast %swap3A_330 : i32 to index
      %swap3A_332 = arith.constant 32 : index
      %swap3A_333 = tpu.vector_load %arg9[%swap3A_331, %swap3A_332] {strides = array<i32>} : memref<3x128xf32, #tpu.memory_space<vmem>>, vector<1x16xf32>,
      %swap3A_334 = vector.shape_cast %swap3A_333 : vector<1x16xf32> to vector<16xf32>
      %swap3A_335 = vector.shape_cast %add3A_329 : vector<16xf32> to vector<1x16xf32>
      tpu.vector_store %arg9[%swap3A_331, %swap3A_332], %swap3A_335 {strides = array<i32>} : memref<3x128xf32, #tpu.memory_space<vmem>>, vector<1x16xf32>,
      %get3A_336 = arith.constant 0 : i32
      %get3A_337 = arith.index_cast %get3A_336 : i32 to index
      %get3A_338 = arith.constant 48 : index
      %get3A_339 = tpu.vector_load %arg6[%get3A_337, %get3A_338] {strides = array<i32>} : memref<4x128xf32, #tpu.memory_space<vmem>>, vector<1x16xf32>,
      %get3A_340 = vector.shape_cast %get3A_339 : vector<1x16xf32> to vector<16xf32>
      %get3A_341 = arith.constant 1 : i32
      %get3A_342 = arith.index_cast %get3A_341 : i32 to index
      %get3A_343 = arith.constant 48 : index
      %get3A_344 = tpu.vector_load %arg6[%get3A_342, %get3A_343] {strides = array<i32>} : memref<4x128xf32, #tpu.memory_space<vmem>>, vector<1x16xf32>,
      %get3A_345 = vector.shape_cast %get3A_344 : vector<1x16xf32> to vector<16xf32>
      %get3A_346 = arith.constant 2 : i32
      %get3A_347 = arith.index_cast %get3A_346 : i32 to index
      %get3A_348 = arith.constant 48 : index
      %get3A_349 = tpu.vector_load %arg6[%get3A_347, %get3A_348] {strides = array<i32>} : memref<4x128xf32, #tpu.memory_space<vmem>>, vector<1x16xf32>,
      %get3A_350 = vector.shape_cast %get3A_349 : vector<1x16xf32> to vector<16xf32>
      %get3A_351 = arith.constant 3 : i32
      %get3A_352 = arith.index_cast %get3A_351 : i32 to index
      %get3A_353 = arith.constant 48 : index
      %get3A_354 = tpu.vector_load %arg6[%get3A_352, %get3A_353] {strides = array<i32>} : memref<4x128xf32, #tpu.memory_space<vmem>>, vector<1x16xf32>,
      %get3A_355 = vector.shape_cast %get3A_354 : vector<1x16xf32> to vector<16xf32>
      %mul3A_356 = arith.mulf %gather3A_201, %get3A_340 : vector<16xf32>
      %mul3A_357 = arith.mulf %gather3A_213, %get3A_345 : vector<16xf32>
      %add3A_358 = arith.addf %mul3A_356, %mul3A_357 : vector<16xf32>
      %mul3A_359 = arith.mulf %gather3A_225, %get3A_350 : vector<16xf32>
      %add3A_360 = arith.addf %add3A_358, %mul3A_359 : vector<16xf32>
      %mul3A_361 = arith.mulf %gather3A_237, %get3A_355 : vector<16xf32>
      %add3A_362 = arith.addf %add3A_360, %mul3A_361 : vector<16xf32>
      %swap3A_363 = arith.constant 0 : i32
      %swap3A_364 = arith.index_cast %swap3A_363 : i32 to index
      %swap3A_365 = arith.constant 48 : index
      %swap3A_366 = tpu.vector_load %arg9[%swap3A_364, %swap3A_365] {strides = array<i32>} : memref<3x128xf32, #tpu.memory_space<vmem>>, vector<1x16xf32>,
      %swap3A_367 = vector.shape_cast %swap3A_366 : vector<1x16xf32> to vector<16xf32>
      %swap3A_368 = vector.shape_cast %add3A_362 : vector<16xf32> to vector<1x16xf32>
      tpu.vector_store %arg9[%swap3A_364, %swap3A_365], %swap3A_368 {strides = array<i32>} : memref<3x128xf32, #tpu.memory_space<vmem>>, vector<1x16xf32>,
      %get3A_369 = arith.constant 0 : i32
      %get3A_370 = arith.index_cast %get3A_369 : i32 to index
      %get3A_371 = arith.constant 64 : index
      %get3A_372 = tpu.vector_load %arg6[%get3A_370, %get3A_371] {strides = array<i32>} : memref<4x128xf32, #tpu.memory_space<vmem>>, vector<1x16xf32>,
      %get3A_373 = vector.shape_cast %get3A_372 : vector<1x16xf32> to vector<16xf32>
      %get3A_374 = arith.constant 1 : i32
      %get3A_375 = arith.index_cast %get3A_374 : i32 to index
      %get3A_376 = arith.constant 64 : index
      %get3A_377 = tpu.vector_load %arg6[%get3A_375, %get3A_376] {strides = array<i32>} : memref<4x128xf32, #tpu.memory_space<vmem>>, vector<1x16xf32>,
      %get3A_378 = vector.shape_cast %get3A_377 : vector<1x16xf32> to vector<16xf32>
      %get3A_379 = arith.constant 2 : i32
      %get3A_380 = arith.index_cast %get3A_379 : i32 to index
      %get3A_381 = arith.constant 64 : index
      %get3A_382 = tpu.vector_load %arg6[%get3A_380, %get3A_381] {strides = array<i32>} : memref<4x128xf32, #tpu.memory_space<vmem>>, vector<1x16xf32>,
      %get3A_383 = vector.shape_cast %get3A_382 : vector<1x16xf32> to vector<16xf32>
      %get3A_384 = arith.constant 3 : i32
      %get3A_385 = arith.index_cast %get3A_384 : i32 to index
      %get3A_386 = arith.constant 64 : index
      %get3A_387 = tpu.vector_load %arg6[%get3A_385, %get3A_386] {strides = array<i32>} : memref<4x128xf32, #tpu.memory_space<vmem>>, vector<1x16xf32>,
      %get3A_388 = vector.shape_cast %get3A_387 : vector<1x16xf32> to vector<16xf32>
      %mul3A_389 = arith.mulf %gather3A_201, %get3A_373 : vector<16xf32>
      %mul3A_390 = arith.mulf %gather3A_213, %get3A_378 : vector<16xf32>
      %add3A_391 = arith.addf %mul3A_389, %mul3A_390 : vector<16xf32>
      %mul3A_392 = arith.mulf %gather3A_225, %get3A_383 : vector<16xf32>
      %add3A_393 = arith.addf %add3A_391, %mul3A_392 : vector<16xf32>
      %mul3A_394 = arith.mulf %gather3A_237, %get3A_388 : vector<16xf32>
      %add3A_395 = arith.addf %add3A_393, %mul3A_394 : vector<16xf32>
      %swap3A_396 = arith.constant 0 : i32
      %swap3A_397 = arith.index_cast %swap3A_396 : i32 to index
      %swap3A_398 = arith.constant 64 : index
      %swap3A_399 = tpu.vector_load %arg9[%swap3A_397, %swap3A_398] {strides = array<i32>} : memref<3x128xf32, #tpu.memory_space<vmem>>, vector<1x16xf32>,
      %swap3A_400 = vector.shape_cast %swap3A_399 : vector<1x16xf32> to vector<16xf32>
      %swap3A_401 = vector.shape_cast %add3A_395 : vector<16xf32> to vector<1x16xf32>
      tpu.vector_store %arg9[%swap3A_397, %swap3A_398], %swap3A_401 {strides = array<i32>} : memref<3x128xf32, #tpu.memory_space<vmem>>, vector<1x16xf32>,
      %get3A_402 = arith.constant 0 : i32
      %get3A_403 = arith.index_cast %get3A_402 : i32 to index
      %get3A_404 = arith.constant 80 : index
      %get3A_405 = tpu.vector_load %arg6[%get3A_403, %get3A_404] {strides = array<i32>} : memref<4x128xf32, #tpu.memory_space<vmem>>, vector<1x16xf32>,
      %get3A_406 = vector.shape_cast %get3A_405 : vector<1x16xf32> to vector<16xf32>
      %get3A_407 = arith.constant 1 : i32
      %get3A_408 = arith.index_cast %get3A_407 : i32 to index
      %get3A_409 = arith.constant 80 : index
      %get3A_410 = tpu.vector_load %arg6[%get3A_408, %get3A_409] {strides = array<i32>} : memref<4x128xf32, #tpu.memory_space<vmem>>, vector<1x16xf32>,
      %get3A_411 = vector.shape_cast %get3A_410 : vector<1x16xf32> to vector<16xf32>
      %get3A_412 = arith.constant 2 : i32
      %get3A_413 = arith.index_cast %get3A_412 : i32 to index
      %get3A_414 = arith.constant 80 : index
      %get3A_415 = tpu.vector_load %arg6[%get3A_413, %get3A_414] {strides = array<i32>} : memref<4x128xf32, #tpu.memory_space<vmem>>, vector<1x16xf32>,
      %get3A_416 = vector.shape_cast %get3A_415 : vector<1x16xf32> to vector<16xf32>
      %get3A_417 = arith.constant 3 : i32
      %get3A_418 = arith.index_cast %get3A_417 : i32 to index
      %get3A_419 = arith.constant 80 : index
      %get3A_420 = tpu.vector_load %arg6[%get3A_418, %get3A_419] {strides = array<i32>} : memref<4x128xf32, #tpu.memory_space<vmem>>, vector<1x16xf32>,
      %get3A_421 = vector.shape_cast %get3A_420 : vector<1x16xf32> to vector<16xf32>
      %mul3A_422 = arith.mulf %gather3A_201, %get3A_406 : vector<16xf32>
      %mul3A_423 = arith.mulf %gather3A_213, %get3A_411 : vector<16xf32>
      %add3A_424 = arith.addf %mul3A_422, %mul3A_423 : vector<16xf32>
      %mul3A_425 = arith.mulf %gather3A_225, %get3A_416 : vector<16xf32>
      %add3A_426 = arith.addf %add3A_424, %mul3A_425 : vector<16xf32>
      %mul3A_427 = arith.mulf %gather3A_237, %get3A_421 : vector<16xf32>
      %add3A_428 = arith.addf %add3A_426, %mul3A_427 : vector<16xf32>
      %swap3A_429 = arith.constant 0 : i32
      %swap3A_430 = arith.index_cast %swap3A_429 : i32 to index
      %swap3A_431 = arith.constant 80 : index
      %swap3A_432 = tpu.vector_load %arg9[%swap3A_430, %swap3A_431] {strides = array<i32>} : memref<3x128xf32, #tpu.memory_space<vmem>>, vector<1x16xf32>,
      %swap3A_433 = vector.shape_cast %swap3A_432 : vector<1x16xf32> to vector<16xf32>
      %swap3A_434 = vector.shape_cast %add3A_428 : vector<16xf32> to vector<1x16xf32>
      tpu.vector_store %arg9[%swap3A_430, %swap3A_431], %swap3A_434 {strides = array<i32>} : memref<3x128xf32, #tpu.memory_space<vmem>>, vector<1x16xf32>,
      %get3A_435 = arith.constant 0 : i32
      %get3A_436 = arith.index_cast %get3A_435 : i32 to index
      %get3A_437 = arith.constant 96 : index
      %get3A_438 = tpu.vector_load %arg6[%get3A_436, %get3A_437] {strides = array<i32>} : memref<4x128xf32, #tpu.memory_space<vmem>>, vector<1x16xf32>,
      %get3A_439 = vector.shape_cast %get3A_438 : vector<1x16xf32> to vector<16xf32>
      %get3A_440 = arith.constant 1 : i32
      %get3A_441 = arith.index_cast %get3A_440 : i32 to index
      %get3A_442 = arith.constant 96 : index
      %get3A_443 = tpu.vector_load %arg6[%get3A_441, %get3A_442] {strides = array<i32>} : memref<4x128xf32, #tpu.memory_space<vmem>>, vector<1x16xf32>,
      %get3A_444 = vector.shape_cast %get3A_443 : vector<1x16xf32> to vector<16xf32>
      %get3A_445 = arith.constant 2 : i32
      %get3A_446 = arith.index_cast %get3A_445 : i32 to index
      %get3A_447 = arith.constant 96 : index
      %get3A_448 = tpu.vector_load %arg6[%get3A_446, %get3A_447] {strides = array<i32>} : memref<4x128xf32, #tpu.memory_space<vmem>>, vector<1x16xf32>,
      %get3A_449 = vector.shape_cast %get3A_448 : vector<1x16xf32> to vector<16xf32>
      %get3A_450 = arith.constant 3 : i32
      %get3A_451 = arith.index_cast %get3A_450 : i32 to index
      %get3A_452 = arith.constant 96 : index
      %get3A_453 = tpu.vector_load %arg6[%get3A_451, %get3A_452] {strides = array<i32>} : memref<4x128xf32, #tpu.memory_space<vmem>>, vector<1x16xf32>,
      %get3A_454 = vector.shape_cast %get3A_453 : vector<1x16xf32> to vector<16xf32>
      %mul3A_455 = arith.mulf %gather3A_201, %get3A_439 : vector<16xf32>
      %mul3A_456 = arith.mulf %gather3A_213, %get3A_444 : vector<16xf32>
      %add3A_457 = arith.addf %mul3A_455, %mul3A_456 : vector<16xf32>
      %mul3A_458 = arith.mulf %gather3A_225, %get3A_449 : vector<16xf32>
      %add3A_459 = arith.addf %add3A_457, %mul3A_458 : vector<16xf32>
      %mul3A_460 = arith.mulf %gather3A_237, %get3A_454 : vector<16xf32>
      %add3A_461 = arith.addf %add3A_459, %mul3A_460 : vector<16xf32>
      %swap3A_462 = arith.constant 0 : i32
      %swap3A_463 = arith.index_cast %swap3A_462 : i32 to index
      %swap3A_464 = arith.constant 96 : index
      %swap3A_465 = tpu.vector_load %arg9[%swap3A_463, %swap3A_464] {strides = array<i32>} : memref<3x128xf32, #tpu.memory_space<vmem>>, vector<1x16xf32>,
      %swap3A_466 = vector.shape_cast %swap3A_465 : vector<1x16xf32> to vector<16xf32>
      %swap3A_467 = vector.shape_cast %add3A_461 : vector<16xf32> to vector<1x16xf32>
      tpu.vector_store %arg9[%swap3A_463, %swap3A_464], %swap3A_467 {strides = array<i32>} : memref<3x128xf32, #tpu.memory_space<vmem>>, vector<1x16xf32>,
      %get3A_468 = arith.constant 0 : i32
      %get3A_469 = arith.index_cast %get3A_468 : i32 to index
      %get3A_470 = arith.constant 112 : index
      %get3A_471 = tpu.vector_load %arg6[%get3A_469, %get3A_470] {strides = array<i32>} : memref<4x128xf32, #tpu.memory_space<vmem>>, vector<1x16xf32>,
      %get3A_472 = vector.shape_cast %get3A_471 : vector<1x16xf32> to vector<16xf32>
      %get3A_473 = arith.constant 1 : i32
      %get3A_474 = arith.index_cast %get3A_473 : i32 to index
      %get3A_475 = arith.constant 112 : index
      %get3A_476 = tpu.vector_load %arg6[%get3A_474, %get3A_475] {strides = array<i32>} : memref<4x128xf32, #tpu.memory_space<vmem>>, vector<1x16xf32>,
      %get3A_477 = vector.shape_cast %get3A_476 : vector<1x16xf32> to vector<16xf32>
      %get3A_478 = arith.constant 2 : i32
      %get3A_479 = arith.index_cast %get3A_478 : i32 to index
      %get3A_480 = arith.constant 112 : index
      %get3A_481 = tpu.vector_load %arg6[%get3A_479, %get3A_480] {strides = array<i32>} : memref<4x128xf32, #tpu.memory_space<vmem>>, vector<1x16xf32>,
      %get3A_482 = vector.shape_cast %get3A_481 : vector<1x16xf32> to vector<16xf32>
      %get3A_483 = arith.constant 3 : i32
      %get3A_484 = arith.index_cast %get3A_483 : i32 to index
      %get3A_485 = arith.constant 112 : index
      %get3A_486 = tpu.vector_load %arg6[%get3A_484, %get3A_485] {strides = array<i32>} : memref<4x128xf32, #tpu.memory_space<vmem>>, vector<1x16xf32>,
      %get3A_487 = vector.shape_cast %get3A_486 : vector<1x16xf32> to vector<16xf32>
      %mul3A_488 = arith.mulf %gather3A_201, %get3A_472 : vector<16xf32>
      %mul3A_489 = arith.mulf %gather3A_213, %get3A_477 : vector<16xf32>
      %add3A_490 = arith.addf %mul3A_488, %mul3A_489 : vector<16xf32>
      %mul3A_491 = arith.mulf %gather3A_225, %get3A_482 : vector<16xf32>
      %add3A_492 = arith.addf %add3A_490, %mul3A_491 : vector<16xf32>
      %mul3A_493 = arith.mulf %gather3A_237, %get3A_487 : vector<16xf32>
      %add3A_494 = arith.addf %add3A_492, %mul3A_493 : vector<16xf32>
      %swap3A_495 = arith.constant 0 : i32
      %swap3A_496 = arith.index_cast %swap3A_495 : i32 to index
      %swap3A_497 = arith.constant 112 : index
      %swap3A_498 = tpu.vector_load %arg9[%swap3A_496, %swap3A_497] {strides = array<i32>} : memref<3x128xf32, #tpu.memory_space<vmem>>, vector<1x16xf32>,
      %swap3A_499 = vector.shape_cast %swap3A_498 : vector<1x16xf32> to vector<16xf32>
      %swap3A_500 = vector.shape_cast %add3A_494 : vector<16xf32> to vector<1x16xf32>
      tpu.vector_store %arg9[%swap3A_496, %swap3A_497], %swap3A_500 {strides = array<i32>} : memref<3x128xf32, #tpu.memory_space<vmem>>, vector<1x16xf32>,
      %broadcast_in_dim3A_501 = arith.constant 4 : i32
      %broadcast_in_dim3A_502 = vector.broadcast %broadcast_in_dim3A_501 : i32 to vector<16xi32>
      %lt3A_503 = arith.constant 0 : i32
      %lt3A_504 = vector.broadcast %lt3A_503 : i32 to vector<16xi32>
      %lt3A_505 = arith.cmpi slt, %broadcast_in_dim3A_502, %lt3A_504 : vector<16xi32>
      %add3A_506 = arith.constant 16 : i32
      %add3A_507 = vector.broadcast %add3A_506 : i32 to vector<16xi32>
      %add3A_508 = arith.addi %broadcast_in_dim3A_502, %add3A_507 : vector<16xi32>
      %select_n3A_509 = arith.select %lt3A_505, %add3A_508, %broadcast_in_dim3A_502 : vector<16xi1>, vector<16xi32>
      %broadcast_in_dim3A_510 = vector.shape_cast %select_n3A_509 : vector<16xi32> to vector<16x1xi32>
      %gather3A_511 = vector.shape_cast %broadcast_in_dim3A_510 : vector<16x1xi32> to vector<16xi32>
      %gather3A_512 = tpu.dynamic_gather %add3A_185[%gather3A_511] in [0] : vector<16xf32>, vector<16xi32> -> vector<16xf32>
      %broadcast_in_dim3A_513 = arith.constant 5 : i32
      %broadcast_in_dim3A_514 = vector.broadcast %broadcast_in_dim3A_513 : i32 to vector<16xi32>
      %lt3A_515 = arith.constant 0 : i32
      %lt3A_516 = vector.broadcast %lt3A_515 : i32 to vector<16xi32>
      %lt3A_517 = arith.cmpi slt, %broadcast_in_dim3A_514, %lt3A_516 : vector<16xi32>
      %add3A_518 = arith.constant 16 : i32
      %add3A_519 = vector.broadcast %add3A_518 : i32 to vector<16xi32>
      %add3A_520 = arith.addi %broadcast_in_dim3A_514, %add3A_519 : vector<16xi32>
      %select_n3A_521 = arith.select %lt3A_517, %add3A_520, %broadcast_in_dim3A_514 : vector<16xi1>, vector<16xi32>
      %broadcast_in_dim3A_522 = vector.shape_cast %select_n3A_521 : vector<16xi32> to vector<16x1xi32>
      %gather3A_523 = vector.shape_cast %broadcast_in_dim3A_522 : vector<16x1xi32> to vector<16xi32>
      %gather3A_524 = tpu.dynamic_gather %add3A_185[%gather3A_523] in [0] : vector<16xf32>, vector<16xi32> -> vector<16xf32>
      %broadcast_in_dim3A_525 = arith.constant 6 : i32
      %broadcast_in_dim3A_526 = vector.broadcast %broadcast_in_dim3A_525 : i32 to vector<16xi32>
      %lt3A_527 = arith.constant 0 : i32
      %lt3A_528 = vector.broadcast %lt3A_527 : i32 to vector<16xi32>
      %lt3A_529 = arith.cmpi slt, %broadcast_in_dim3A_526, %lt3A_528 : vector<16xi32>
      %add3A_530 = arith.constant 16 : i32
      %add3A_531 = vector.broadcast %add3A_530 : i32 to vector<16xi32>
      %add3A_532 = arith.addi %broadcast_in_dim3A_526, %add3A_531 : vector<16xi32>
      %select_n3A_533 = arith.select %lt3A_529, %add3A_532, %broadcast_in_dim3A_526 : vector<16xi1>, vector<16xi32>
      %broadcast_in_dim3A_534 = vector.shape_cast %select_n3A_533 : vector<16xi32> to vector<16x1xi32>
      %gather3A_535 = vector.shape_cast %broadcast_in_dim3A_534 : vector<16x1xi32> to vector<16xi32>
      %gather3A_536 = tpu.dynamic_gather %add3A_185[%gather3A_535] in [0] : vector<16xf32>, vector<16xi32> -> vector<16xf32>
      %broadcast_in_dim3A_537 = arith.constant 7 : i32
      %broadcast_in_dim3A_538 = vector.broadcast %broadcast_in_dim3A_537 : i32 to vector<16xi32>
      %lt3A_539 = arith.constant 0 : i32
      %lt3A_540 = vector.broadcast %lt3A_539 : i32 to vector<16xi32>
      %lt3A_541 = arith.cmpi slt, %broadcast_in_dim3A_538, %lt3A_540 : vector<16xi32>
      %add3A_542 = arith.constant 16 : i32
      %add3A_543 = vector.broadcast %add3A_542 : i32 to vector<16xi32>
      %add3A_544 = arith.addi %broadcast_in_dim3A_538, %add3A_543 : vector<16xi32>
      %select_n3A_545 = arith.select %lt3A_541, %add3A_544, %broadcast_in_dim3A_538 : vector<16xi1>, vector<16xi32>
      %broadcast_in_dim3A_546 = vector.shape_cast %select_n3A_545 : vector<16xi32> to vector<16x1xi32>
      %gather3A_547 = vector.shape_cast %broadcast_in_dim3A_546 : vector<16x1xi32> to vector<16xi32>
      %gather3A_548 = tpu.dynamic_gather %add3A_185[%gather3A_547] in [0] : vector<16xf32>, vector<16xi32> -> vector<16xf32>
      %get3A_549 = arith.constant 0 : i32
      %get3A_550 = arith.index_cast %get3A_549 : i32 to index
      %get3A_551 = arith.constant 0 : index
      %get3A_552 = tpu.vector_load %arg6[%get3A_550, %get3A_551] {strides = array<i32>} : memref<4x128xf32, #tpu.memory_space<vmem>>, vector<1x16xf32>,
      %get3A_553 = vector.shape_cast %get3A_552 : vector<1x16xf32> to vector<16xf32>
      %get3A_554 = arith.constant 1 : i32
      %get3A_555 = arith.index_cast %get3A_554 : i32 to index
      %get3A_556 = arith.constant 0 : index
      %get3A_557 = tpu.vector_load %arg6[%get3A_555, %get3A_556] {strides = array<i32>} : memref<4x128xf32, #tpu.memory_space<vmem>>, vector<1x16xf32>,
      %get3A_558 = vector.shape_cast %get3A_557 : vector<1x16xf32> to vector<16xf32>
      %get3A_559 = arith.constant 2 : i32
      %get3A_560 = arith.index_cast %get3A_559 : i32 to index
      %get3A_561 = arith.constant 0 : index
      %get3A_562 = tpu.vector_load %arg6[%get3A_560, %get3A_561] {strides = array<i32>} : memref<4x128xf32, #tpu.memory_space<vmem>>, vector<1x16xf32>,
      %get3A_563 = vector.shape_cast %get3A_562 : vector<1x16xf32> to vector<16xf32>
      %get3A_564 = arith.constant 3 : i32
      %get3A_565 = arith.index_cast %get3A_564 : i32 to index
      %get3A_566 = arith.constant 0 : index
      %get3A_567 = tpu.vector_load %arg6[%get3A_565, %get3A_566] {strides = array<i32>} : memref<4x128xf32, #tpu.memory_space<vmem>>, vector<1x16xf32>,
      %get3A_568 = vector.shape_cast %get3A_567 : vector<1x16xf32> to vector<16xf32>
      %mul3A_569 = arith.mulf %gather3A_512, %get3A_553 : vector<16xf32>
      %mul3A_570 = arith.mulf %gather3A_524, %get3A_558 : vector<16xf32>
      %add3A_571 = arith.addf %mul3A_569, %mul3A_570 : vector<16xf32>
      %mul3A_572 = arith.mulf %gather3A_536, %get3A_563 : vector<16xf32>
      %add3A_573 = arith.addf %add3A_571, %mul3A_572 : vector<16xf32>
      %mul3A_574 = arith.mulf %gather3A_548, %get3A_568 : vector<16xf32>
      %add3A_575 = arith.addf %add3A_573, %mul3A_574 : vector<16xf32>
      %swap3A_576 = arith.constant 1 : i32
      %swap3A_577 = arith.index_cast %swap3A_576 : i32 to index
      %swap3A_578 = arith.constant 0 : index
      %swap3A_579 = tpu.vector_load %arg9[%swap3A_577, %swap3A_578] {strides = array<i32>} : memref<3x128xf32, #tpu.memory_space<vmem>>, vector<1x16xf32>,
      %swap3A_580 = vector.shape_cast %swap3A_579 : vector<1x16xf32> to vector<16xf32>
      %swap3A_581 = vector.shape_cast %add3A_575 : vector<16xf32> to vector<1x16xf32>
      tpu.vector_store %arg9[%swap3A_577, %swap3A_578], %swap3A_581 {strides = array<i32>} : memref<3x128xf32, #tpu.memory_space<vmem>>, vector<1x16xf32>,
      %get3A_582 = arith.constant 0 : i32
      %get3A_583 = arith.index_cast %get3A_582 : i32 to index
      %get3A_584 = arith.constant 16 : index
      %get3A_585 = tpu.vector_load %arg6[%get3A_583, %get3A_584] {strides = array<i32>} : memref<4x128xf32, #tpu.memory_space<vmem>>, vector<1x16xf32>,
      %get3A_586 = vector.shape_cast %get3A_585 : vector<1x16xf32> to vector<16xf32>
      %get3A_587 = arith.constant 1 : i32
      %get3A_588 = arith.index_cast %get3A_587 : i32 to index
      %get3A_589 = arith.constant 16 : index
      %get3A_590 = tpu.vector_load %arg6[%get3A_588, %get3A_589] {strides = array<i32>} : memref<4x128xf32, #tpu.memory_space<vmem>>, vector<1x16xf32>,
      %get3A_591 = vector.shape_cast %get3A_590 : vector<1x16xf32> to vector<16xf32>
      %get3A_592 = arith.constant 2 : i32
      %get3A_593 = arith.index_cast %get3A_592 : i32 to index
      %get3A_594 = arith.constant 16 : index
      %get3A_595 = tpu.vector_load %arg6[%get3A_593, %get3A_594] {strides = array<i32>} : memref<4x128xf32, #tpu.memory_space<vmem>>, vector<1x16xf32>,
      %get3A_596 = vector.shape_cast %get3A_595 : vector<1x16xf32> to vector<16xf32>
      %get3A_597 = arith.constant 3 : i32
      %get3A_598 = arith.index_cast %get3A_597 : i32 to index
      %get3A_599 = arith.constant 16 : index
      %get3A_600 = tpu.vector_load %arg6[%get3A_598, %get3A_599] {strides = array<i32>} : memref<4x128xf32, #tpu.memory_space<vmem>>, vector<1x16xf32>,
      %get3A_601 = vector.shape_cast %get3A_600 : vector<1x16xf32> to vector<16xf32>
      %mul3A_602 = arith.mulf %gather3A_512, %get3A_586 : vector<16xf32>
      %mul3A_603 = arith.mulf %gather3A_524, %get3A_591 : vector<16xf32>
      %add3A_604 = arith.addf %mul3A_602, %mul3A_603 : vector<16xf32>
      %mul3A_605 = arith.mulf %gather3A_536, %get3A_596 : vector<16xf32>
      %add3A_606 = arith.addf %add3A_604, %mul3A_605 : vector<16xf32>
      %mul3A_607 = arith.mulf %gather3A_548, %get3A_601 : vector<16xf32>
      %add3A_608 = arith.addf %add3A_606, %mul3A_607 : vector<16xf32>
      %swap3A_609 = arith.constant 1 : i32
      %swap3A_610 = arith.index_cast %swap3A_609 : i32 to index
      %swap3A_611 = arith.constant 16 : index
      %swap3A_612 = tpu.vector_load %arg9[%swap3A_610, %swap3A_611] {strides = array<i32>} : memref<3x128xf32, #tpu.memory_space<vmem>>, vector<1x16xf32>,
      %swap3A_613 = vector.shape_cast %swap3A_612 : vector<1x16xf32> to vector<16xf32>
      %swap3A_614 = vector.shape_cast %add3A_608 : vector<16xf32> to vector<1x16xf32>
      tpu.vector_store %arg9[%swap3A_610, %swap3A_611], %swap3A_614 {strides = array<i32>} : memref<3x128xf32, #tpu.memory_space<vmem>>, vector<1x16xf32>,
      %get3A_615 = arith.constant 0 : i32
      %get3A_616 = arith.index_cast %get3A_615 : i32 to index
      %get3A_617 = arith.constant 32 : index
      %get3A_618 = tpu.vector_load %arg6[%get3A_616, %get3A_617] {strides = array<i32>} : memref<4x128xf32, #tpu.memory_space<vmem>>, vector<1x16xf32>,
      %get3A_619 = vector.shape_cast %get3A_618 : vector<1x16xf32> to vector<16xf32>
      %get3A_620 = arith.constant 1 : i32
      %get3A_621 = arith.index_cast %get3A_620 : i32 to index
      %get3A_622 = arith.constant 32 : index
      %get3A_623 = tpu.vector_load %arg6[%get3A_621, %get3A_622] {strides = array<i32>} : memref<4x128xf32, #tpu.memory_space<vmem>>, vector<1x16xf32>,
      %get3A_624 = vector.shape_cast %get3A_623 : vector<1x16xf32> to vector<16xf32>
      %get3A_625 = arith.constant 2 : i32
      %get3A_626 = arith.index_cast %get3A_625 : i32 to index
      %get3A_627 = arith.constant 32 : index
      %get3A_628 = tpu.vector_load %arg6[%get3A_626, %get3A_627] {strides = array<i32>} : memref<4x128xf32, #tpu.memory_space<vmem>>, vector<1x16xf32>,
      %get3A_629 = vector.shape_cast %get3A_628 : vector<1x16xf32> to vector<16xf32>
      %get3A_630 = arith.constant 3 : i32
      %get3A_631 = arith.index_cast %get3A_630 : i32 to index
      %get3A_632 = arith.constant 32 : index
      %get3A_633 = tpu.vector_load %arg6[%get3A_631, %get3A_632] {strides = array<i32>} : memref<4x128xf32, #tpu.memory_space<vmem>>, vector<1x16xf32>,
      %get3A_634 = vector.shape_cast %get3A_633 : vector<1x16xf32> to vector<16xf32>
      %mul3A_635 = arith.mulf %gather3A_512, %get3A_619 : vector<16xf32>
      %mul3A_636 = arith.mulf %gather3A_524, %get3A_624 : vector<16xf32>
      %add3A_637 = arith.addf %mul3A_635, %mul3A_636 : vector<16xf32>
      %mul3A_638 = arith.mulf %gather3A_536, %get3A_629 : vector<16xf32>
      %add3A_639 = arith.addf %add3A_637, %mul3A_638 : vector<16xf32>
      %mul3A_640 = arith.mulf %gather3A_548, %get3A_634 : vector<16xf32>
      %add3A_641 = arith.addf %add3A_639, %mul3A_640 : vector<16xf32>
      %swap3A_642 = arith.constant 1 : i32
      %swap3A_643 = arith.index_cast %swap3A_642 : i32 to index
      %swap3A_644 = arith.constant 32 : index
      %swap3A_645 = tpu.vector_load %arg9[%swap3A_643, %swap3A_644] {strides = array<i32>} : memref<3x128xf32, #tpu.memory_space<vmem>>, vector<1x16xf32>,
      %swap3A_646 = vector.shape_cast %swap3A_645 : vector<1x16xf32> to vector<16xf32>
      %swap3A_647 = vector.shape_cast %add3A_641 : vector<16xf32> to vector<1x16xf32>
      tpu.vector_store %arg9[%swap3A_643, %swap3A_644], %swap3A_647 {strides = array<i32>} : memref<3x128xf32, #tpu.memory_space<vmem>>, vector<1x16xf32>,
      %get3A_648 = arith.constant 0 : i32
      %get3A_649 = arith.index_cast %get3A_648 : i32 to index
      %get3A_650 = arith.constant 48 : index
      %get3A_651 = tpu.vector_load %arg6[%get3A_649, %get3A_650] {strides = array<i32>} : memref<4x128xf32, #tpu.memory_space<vmem>>, vector<1x16xf32>,
      %get3A_652 = vector.shape_cast %get3A_651 : vector<1x16xf32> to vector<16xf32>
      %get3A_653 = arith.constant 1 : i32
      %get3A_654 = arith.index_cast %get3A_653 : i32 to index
      %get3A_655 = arith.constant 48 : index
      %get3A_656 = tpu.vector_load %arg6[%get3A_654, %get3A_655] {strides = array<i32>} : memref<4x128xf32, #tpu.memory_space<vmem>>, vector<1x16xf32>,
      %get3A_657 = vector.shape_cast %get3A_656 : vector<1x16xf32> to vector<16xf32>
      %get3A_658 = arith.constant 2 : i32
      %get3A_659 = arith.index_cast %get3A_658 : i32 to index
      %get3A_660 = arith.constant 48 : index
      %get3A_661 = tpu.vector_load %arg6[%get3A_659, %get3A_660] {strides = array<i32>} : memref<4x128xf32, #tpu.memory_space<vmem>>, vector<1x16xf32>,
      %get3A_662 = vector.shape_cast %get3A_661 : vector<1x16xf32> to vector<16xf32>
      %get3A_663 = arith.constant 3 : i32
      %get3A_664 = arith.index_cast %get3A_663 : i32 to index
      %get3A_665 = arith.constant 48 : index
      %get3A_666 = tpu.vector_load %arg6[%get3A_664, %get3A_665] {strides = array<i32>} : memref<4x128xf32, #tpu.memory_space<vmem>>, vector<1x16xf32>,
      %get3A_667 = vector.shape_cast %get3A_666 : vector<1x16xf32> to vector<16xf32>
      %mul3A_668 = arith.mulf %gather3A_512, %get3A_652 : vector<16xf32>
      %mul3A_669 = arith.mulf %gather3A_524, %get3A_657 : vector<16xf32>
      %add3A_670 = arith.addf %mul3A_668, %mul3A_669 : vector<16xf32>
      %mul3A_671 = arith.mulf %gather3A_536, %get3A_662 : vector<16xf32>
      %add3A_672 = arith.addf %add3A_670, %mul3A_671 : vector<16xf32>
      %mul3A_673 = arith.mulf %gather3A_548, %get3A_667 : vector<16xf32>
      %add3A_674 = arith.addf %add3A_672, %mul3A_673 : vector<16xf32>
      %swap3A_675 = arith.constant 1 : i32
      %swap3A_676 = arith.index_cast %swap3A_675 : i32 to index
      %swap3A_677 = arith.constant 48 : index
      %swap3A_678 = tpu.vector_load %arg9[%swap3A_676, %swap3A_677] {strides = array<i32>} : memref<3x128xf32, #tpu.memory_space<vmem>>, vector<1x16xf32>,
      %swap3A_679 = vector.shape_cast %swap3A_678 : vector<1x16xf32> to vector<16xf32>
      %swap3A_680 = vector.shape_cast %add3A_674 : vector<16xf32> to vector<1x16xf32>
      tpu.vector_store %arg9[%swap3A_676, %swap3A_677], %swap3A_680 {strides = array<i32>} : memref<3x128xf32, #tpu.memory_space<vmem>>, vector<1x16xf32>,
      %get3A_681 = arith.constant 0 : i32
      %get3A_682 = arith.index_cast %get3A_681 : i32 to index
      %get3A_683 = arith.constant 64 : index
      %get3A_684 = tpu.vector_load %arg6[%get3A_682, %get3A_683] {strides = array<i32>} : memref<4x128xf32, #tpu.memory_space<vmem>>, vector<1x16xf32>,
      %get3A_685 = vector.shape_cast %get3A_684 : vector<1x16xf32> to vector<16xf32>
      %get3A_686 = arith.constant 1 : i32
      %get3A_687 = arith.index_cast %get3A_686 : i32 to index
      %get3A_688 = arith.constant 64 : index
      %get3A_689 = tpu.vector_load %arg6[%get3A_687, %get3A_688] {strides = array<i32>} : memref<4x128xf32, #tpu.memory_space<vmem>>, vector<1x16xf32>,
      %get3A_690 = vector.shape_cast %get3A_689 : vector<1x16xf32> to vector<16xf32>
      %get3A_691 = arith.constant 2 : i32
      %get3A_692 = arith.index_cast %get3A_691 : i32 to index
      %get3A_693 = arith.constant 64 : index
      %get3A_694 = tpu.vector_load %arg6[%get3A_692, %get3A_693] {strides = array<i32>} : memref<4x128xf32, #tpu.memory_space<vmem>>, vector<1x16xf32>,
      %get3A_695 = vector.shape_cast %get3A_694 : vector<1x16xf32> to vector<16xf32>
      %get3A_696 = arith.constant 3 : i32
      %get3A_697 = arith.index_cast %get3A_696 : i32 to index
      %get3A_698 = arith.constant 64 : index
      %get3A_699 = tpu.vector_load %arg6[%get3A_697, %get3A_698] {strides = array<i32>} : memref<4x128xf32, #tpu.memory_space<vmem>>, vector<1x16xf32>,
      %get3A_700 = vector.shape_cast %get3A_699 : vector<1x16xf32> to vector<16xf32>
      %mul3A_701 = arith.mulf %gather3A_512, %get3A_685 : vector<16xf32>
      %mul3A_702 = arith.mulf %gather3A_524, %get3A_690 : vector<16xf32>
      %add3A_703 = arith.addf %mul3A_701, %mul3A_702 : vector<16xf32>
      %mul3A_704 = arith.mulf %gather3A_536, %get3A_695 : vector<16xf32>
      %add3A_705 = arith.addf %add3A_703, %mul3A_704 : vector<16xf32>
      %mul3A_706 = arith.mulf %gather3A_548, %get3A_700 : vector<16xf32>
      %add3A_707 = arith.addf %add3A_705, %mul3A_706 : vector<16xf32>
      %swap3A_708 = arith.constant 1 : i32
      %swap3A_709 = arith.index_cast %swap3A_708 : i32 to index
      %swap3A_710 = arith.constant 64 : index
      %swap3A_711 = tpu.vector_load %arg9[%swap3A_709, %swap3A_710] {strides = array<i32>} : memref<3x128xf32, #tpu.memory_space<vmem>>, vector<1x16xf32>,
      %swap3A_712 = vector.shape_cast %swap3A_711 : vector<1x16xf32> to vector<16xf32>
      %swap3A_713 = vector.shape_cast %add3A_707 : vector<16xf32> to vector<1x16xf32>
      tpu.vector_store %arg9[%swap3A_709, %swap3A_710], %swap3A_713 {strides = array<i32>} : memref<3x128xf32, #tpu.memory_space<vmem>>, vector<1x16xf32>,
      %get3A_714 = arith.constant 0 : i32
      %get3A_715 = arith.index_cast %get3A_714 : i32 to index
      %get3A_716 = arith.constant 80 : index
      %get3A_717 = tpu.vector_load %arg6[%get3A_715, %get3A_716] {strides = array<i32>} : memref<4x128xf32, #tpu.memory_space<vmem>>, vector<1x16xf32>,
      %get3A_718 = vector.shape_cast %get3A_717 : vector<1x16xf32> to vector<16xf32>
      %get3A_719 = arith.constant 1 : i32
      %get3A_720 = arith.index_cast %get3A_719 : i32 to index
      %get3A_721 = arith.constant 80 : index
      %get3A_722 = tpu.vector_load %arg6[%get3A_720, %get3A_721] {strides = array<i32>} : memref<4x128xf32, #tpu.memory_space<vmem>>, vector<1x16xf32>,
      %get3A_723 = vector.shape_cast %get3A_722 : vector<1x16xf32> to vector<16xf32>
      %get3A_724 = arith.constant 2 : i32
      %get3A_725 = arith.index_cast %get3A_724 : i32 to index
      %get3A_726 = arith.constant 80 : index
      %get3A_727 = tpu.vector_load %arg6[%get3A_725, %get3A_726] {strides = array<i32>} : memref<4x128xf32, #tpu.memory_space<vmem>>, vector<1x16xf32>,
      %get3A_728 = vector.shape_cast %get3A_727 : vector<1x16xf32> to vector<16xf32>
      %get3A_729 = arith.constant 3 : i32
      %get3A_730 = arith.index_cast %get3A_729 : i32 to index
      %get3A_731 = arith.constant 80 : index
      %get3A_732 = tpu.vector_load %arg6[%get3A_730, %get3A_731] {strides = array<i32>} : memref<4x128xf32, #tpu.memory_space<vmem>>, vector<1x16xf32>,
      %get3A_733 = vector.shape_cast %get3A_732 : vector<1x16xf32> to vector<16xf32>
      %mul3A_734 = arith.mulf %gather3A_512, %get3A_718 : vector<16xf32>
      %mul3A_735 = arith.mulf %gather3A_524, %get3A_723 : vector<16xf32>
      %add3A_736 = arith.addf %mul3A_734, %mul3A_735 : vector<16xf32>
      %mul3A_737 = arith.mulf %gather3A_536, %get3A_728 : vector<16xf32>
      %add3A_738 = arith.addf %add3A_736, %mul3A_737 : vector<16xf32>
      %mul3A_739 = arith.mulf %gather3A_548, %get3A_733 : vector<16xf32>
      %add3A_740 = arith.addf %add3A_738, %mul3A_739 : vector<16xf32>
      %swap3A_741 = arith.constant 1 : i32
      %swap3A_742 = arith.index_cast %swap3A_741 : i32 to index
      %swap3A_743 = arith.constant 80 : index
      %swap3A_744 = tpu.vector_load %arg9[%swap3A_742, %swap3A_743] {strides = array<i32>} : memref<3x128xf32, #tpu.memory_space<vmem>>, vector<1x16xf32>,
      %swap3A_745 = vector.shape_cast %swap3A_744 : vector<1x16xf32> to vector<16xf32>
      %swap3A_746 = vector.shape_cast %add3A_740 : vector<16xf32> to vector<1x16xf32>
      tpu.vector_store %arg9[%swap3A_742, %swap3A_743], %swap3A_746 {strides = array<i32>} : memref<3x128xf32, #tpu.memory_space<vmem>>, vector<1x16xf32>,
      %get3A_747 = arith.constant 0 : i32
      %get3A_748 = arith.index_cast %get3A_747 : i32 to index
      %get3A_749 = arith.constant 96 : index
      %get3A_750 = tpu.vector_load %arg6[%get3A_748, %get3A_749] {strides = array<i32>} : memref<4x128xf32, #tpu.memory_space<vmem>>, vector<1x16xf32>,
      %get3A_751 = vector.shape_cast %get3A_750 : vector<1x16xf32> to vector<16xf32>
      %get3A_752 = arith.constant 1 : i32
      %get3A_753 = arith.index_cast %get3A_752 : i32 to index
      %get3A_754 = arith.constant 96 : index
      %get3A_755 = tpu.vector_load %arg6[%get3A_753, %get3A_754] {strides = array<i32>} : memref<4x128xf32, #tpu.memory_space<vmem>>, vector<1x16xf32>,
      %get3A_756 = vector.shape_cast %get3A_755 : vector<1x16xf32> to vector<16xf32>
      %get3A_757 = arith.constant 2 : i32
      %get3A_758 = arith.index_cast %get3A_757 : i32 to index
      %get3A_759 = arith.constant 96 : index
      %get3A_760 = tpu.vector_load %arg6[%get3A_758, %get3A_759] {strides = array<i32>} : memref<4x128xf32, #tpu.memory_space<vmem>>, vector<1x16xf32>,
      %get3A_761 = vector.shape_cast %get3A_760 : vector<1x16xf32> to vector<16xf32>
      %get3A_762 = arith.constant 3 : i32
      %get3A_763 = arith.index_cast %get3A_762 : i32 to index
      %get3A_764 = arith.constant 96 : index
      %get3A_765 = tpu.vector_load %arg6[%get3A_763, %get3A_764] {strides = array<i32>} : memref<4x128xf32, #tpu.memory_space<vmem>>, vector<1x16xf32>,
      %get3A_766 = vector.shape_cast %get3A_765 : vector<1x16xf32> to vector<16xf32>
      %mul3A_767 = arith.mulf %gather3A_512, %get3A_751 : vector<16xf32>
      %mul3A_768 = arith.mulf %gather3A_524, %get3A_756 : vector<16xf32>
      %add3A_769 = arith.addf %mul3A_767, %mul3A_768 : vector<16xf32>
      %mul3A_770 = arith.mulf %gather3A_536, %get3A_761 : vector<16xf32>
      %add3A_771 = arith.addf %add3A_769, %mul3A_770 : vector<16xf32>
      %mul3A_772 = arith.mulf %gather3A_548, %get3A_766 : vector<16xf32>
      %add3A_773 = arith.addf %add3A_771, %mul3A_772 : vector<16xf32>
      %swap3A_774 = arith.constant 1 : i32
      %swap3A_775 = arith.index_cast %swap3A_774 : i32 to index
      %swap3A_776 = arith.constant 96 : index
      %swap3A_777 = tpu.vector_load %arg9[%swap3A_775, %swap3A_776] {strides = array<i32>} : memref<3x128xf32, #tpu.memory_space<vmem>>, vector<1x16xf32>,
      %swap3A_778 = vector.shape_cast %swap3A_777 : vector<1x16xf32> to vector<16xf32>
      %swap3A_779 = vector.shape_cast %add3A_773 : vector<16xf32> to vector<1x16xf32>
      tpu.vector_store %arg9[%swap3A_775, %swap3A_776], %swap3A_779 {strides = array<i32>} : memref<3x128xf32, #tpu.memory_space<vmem>>, vector<1x16xf32>,
      %get3A_780 = arith.constant 0 : i32
      %get3A_781 = arith.index_cast %get3A_780 : i32 to index
      %get3A_782 = arith.constant 112 : index
      %get3A_783 = tpu.vector_load %arg6[%get3A_781, %get3A_782] {strides = array<i32>} : memref<4x128xf32, #tpu.memory_space<vmem>>, vector<1x16xf32>,
      %get3A_784 = vector.shape_cast %get3A_783 : vector<1x16xf32> to vector<16xf32>
      %get3A_785 = arith.constant 1 : i32
      %get3A_786 = arith.index_cast %get3A_785 : i32 to index
      %get3A_787 = arith.constant 112 : index
      %get3A_788 = tpu.vector_load %arg6[%get3A_786, %get3A_787] {strides = array<i32>} : memref<4x128xf32, #tpu.memory_space<vmem>>, vector<1x16xf32>,
      %get3A_789 = vector.shape_cast %get3A_788 : vector<1x16xf32> to vector<16xf32>
      %get3A_790 = arith.constant 2 : i32
      %get3A_791 = arith.index_cast %get3A_790 : i32 to index
      %get3A_792 = arith.constant 112 : index
      %get3A_793 = tpu.vector_load %arg6[%get3A_791, %get3A_792] {strides = array<i32>} : memref<4x128xf32, #tpu.memory_space<vmem>>, vector<1x16xf32>,
      %get3A_794 = vector.shape_cast %get3A_793 : vector<1x16xf32> to vector<16xf32>
      %get3A_795 = arith.constant 3 : i32
      %get3A_796 = arith.index_cast %get3A_795 : i32 to index
      %get3A_797 = arith.constant 112 : index
      %get3A_798 = tpu.vector_load %arg6[%get3A_796, %get3A_797] {strides = array<i32>} : memref<4x128xf32, #tpu.memory_space<vmem>>, vector<1x16xf32>,
      %get3A_799 = vector.shape_cast %get3A_798 : vector<1x16xf32> to vector<16xf32>
      %mul3A_800 = arith.mulf %gather3A_512, %get3A_784 : vector<16xf32>
      %mul3A_801 = arith.mulf %gather3A_524, %get3A_789 : vector<16xf32>
      %add3A_802 = arith.addf %mul3A_800, %mul3A_801 : vector<16xf32>
      %mul3A_803 = arith.mulf %gather3A_536, %get3A_794 : vector<16xf32>
      %add3A_804 = arith.addf %add3A_802, %mul3A_803 : vector<16xf32>
      %mul3A_805 = arith.mulf %gather3A_548, %get3A_799 : vector<16xf32>
      %add3A_806 = arith.addf %add3A_804, %mul3A_805 : vector<16xf32>
      %swap3A_807 = arith.constant 1 : i32
      %swap3A_808 = arith.index_cast %swap3A_807 : i32 to index
      %swap3A_809 = arith.constant 112 : index
      %swap3A_810 = tpu.vector_load %arg9[%swap3A_808, %swap3A_809] {strides = array<i32>} : memref<3x128xf32, #tpu.memory_space<vmem>>, vector<1x16xf32>,
      %swap3A_811 = vector.shape_cast %swap3A_810 : vector<1x16xf32> to vector<16xf32>
      %swap3A_812 = vector.shape_cast %add3A_806 : vector<16xf32> to vector<1x16xf32>
      tpu.vector_store %arg9[%swap3A_808, %swap3A_809], %swap3A_812 {strides = array<i32>} : memref<3x128xf32, #tpu.memory_space<vmem>>, vector<1x16xf32>,
      %broadcast_in_dim3A_813 = arith.constant 8 : i32
      %broadcast_in_dim3A_814 = vector.broadcast %broadcast_in_dim3A_813 : i32 to vector<16xi32>
      %lt3A_815 = arith.constant 0 : i32
      %lt3A_816 = vector.broadcast %lt3A_815 : i32 to vector<16xi32>
      %lt3A_817 = arith.cmpi slt, %broadcast_in_dim3A_814, %lt3A_816 : vector<16xi32>
      %add3A_818 = arith.constant 16 : i32
      %add3A_819 = vector.broadcast %add3A_818 : i32 to vector<16xi32>
      %add3A_820 = arith.addi %broadcast_in_dim3A_814, %add3A_819 : vector<16xi32>
      %select_n3A_821 = arith.select %lt3A_817, %add3A_820, %broadcast_in_dim3A_814 : vector<16xi1>, vector<16xi32>
      %broadcast_in_dim3A_822 = vector.shape_cast %select_n3A_821 : vector<16xi32> to vector<16x1xi32>
      %gather3A_823 = vector.shape_cast %broadcast_in_dim3A_822 : vector<16x1xi32> to vector<16xi32>
      %gather3A_824 = tpu.dynamic_gather %add3A_185[%gather3A_823] in [0] : vector<16xf32>, vector<16xi32> -> vector<16xf32>
      %broadcast_in_dim3A_825 = arith.constant 9 : i32
      %broadcast_in_dim3A_826 = vector.broadcast %broadcast_in_dim3A_825 : i32 to vector<16xi32>
      %lt3A_827 = arith.constant 0 : i32
      %lt3A_828 = vector.broadcast %lt3A_827 : i32 to vector<16xi32>
      %lt3A_829 = arith.cmpi slt, %broadcast_in_dim3A_826, %lt3A_828 : vector<16xi32>
      %add3A_830 = arith.constant 16 : i32
      %add3A_831 = vector.broadcast %add3A_830 : i32 to vector<16xi32>
      %add3A_832 = arith.addi %broadcast_in_dim3A_826, %add3A_831 : vector<16xi32>
      %select_n3A_833 = arith.select %lt3A_829, %add3A_832, %broadcast_in_dim3A_826 : vector<16xi1>, vector<16xi32>
      %broadcast_in_dim3A_834 = vector.shape_cast %select_n3A_833 : vector<16xi32> to vector<16x1xi32>
      %gather3A_835 = vector.shape_cast %broadcast_in_dim3A_834 : vector<16x1xi32> to vector<16xi32>
      %gather3A_836 = tpu.dynamic_gather %add3A_185[%gather3A_835] in [0] : vector<16xf32>, vector<16xi32> -> vector<16xf32>
      %broadcast_in_dim3A_837 = arith.constant 10 : i32
      %broadcast_in_dim3A_838 = vector.broadcast %broadcast_in_dim3A_837 : i32 to vector<16xi32>
      %lt3A_839 = arith.constant 0 : i32
      %lt3A_840 = vector.broadcast %lt3A_839 : i32 to vector<16xi32>
      %lt3A_841 = arith.cmpi slt, %broadcast_in_dim3A_838, %lt3A_840 : vector<16xi32>
      %add3A_842 = arith.constant 16 : i32
      %add3A_843 = vector.broadcast %add3A_842 : i32 to vector<16xi32>
      %add3A_844 = arith.addi %broadcast_in_dim3A_838, %add3A_843 : vector<16xi32>
      %select_n3A_845 = arith.select %lt3A_841, %add3A_844, %broadcast_in_dim3A_838 : vector<16xi1>, vector<16xi32>
      %broadcast_in_dim3A_846 = vector.shape_cast %select_n3A_845 : vector<16xi32> to vector<16x1xi32>
      %gather3A_847 = vector.shape_cast %broadcast_in_dim3A_846 : vector<16x1xi32> to vector<16xi32>
      %gather3A_848 = tpu.dynamic_gather %add3A_185[%gather3A_847] in [0] : vector<16xf32>, vector<16xi32> -> vector<16xf32>
      %broadcast_in_dim3A_849 = arith.constant 11 : i32
      %broadcast_in_dim3A_850 = vector.broadcast %broadcast_in_dim3A_849 : i32 to vector<16xi32>
      %lt3A_851 = arith.constant 0 : i32
      %lt3A_852 = vector.broadcast %lt3A_851 : i32 to vector<16xi32>
      %lt3A_853 = arith.cmpi slt, %broadcast_in_dim3A_850, %lt3A_852 : vector<16xi32>
      %add3A_854 = arith.constant 16 : i32
      %add3A_855 = vector.broadcast %add3A_854 : i32 to vector<16xi32>
      %add3A_856 = arith.addi %broadcast_in_dim3A_850, %add3A_855 : vector<16xi32>
      %select_n3A_857 = arith.select %lt3A_853, %add3A_856, %broadcast_in_dim3A_850 : vector<16xi1>, vector<16xi32>
      %broadcast_in_dim3A_858 = vector.shape_cast %select_n3A_857 : vector<16xi32> to vector<16x1xi32>
      %gather3A_859 = vector.shape_cast %broadcast_in_dim3A_858 : vector<16x1xi32> to vector<16xi32>
      %gather3A_860 = tpu.dynamic_gather %add3A_185[%gather3A_859] in [0] : vector<16xf32>, vector<16xi32> -> vector<16xf32>
      %get3A_861 = arith.constant 0 : i32
      %get3A_862 = arith.index_cast %get3A_861 : i32 to index
      %get3A_863 = arith.constant 0 : index
      %get3A_864 = tpu.vector_load %arg6[%get3A_862, %get3A_863] {strides = array<i32>} : memref<4x128xf32, #tpu.memory_space<vmem>>, vector<1x16xf32>,
      %get3A_865 = vector.shape_cast %get3A_864 : vector<1x16xf32> to vector<16xf32>
      %get3A_866 = arith.constant 1 : i32
      %get3A_867 = arith.index_cast %get3A_866 : i32 to index
      %get3A_868 = arith.constant 0 : index
      %get3A_869 = tpu.vector_load %arg6[%get3A_867, %get3A_868] {strides = array<i32>} : memref<4x128xf32, #tpu.memory_space<vmem>>, vector<1x16xf32>,
      %get3A_870 = vector.shape_cast %get3A_869 : vector<1x16xf32> to vector<16xf32>
      %get3A_871 = arith.constant 2 : i32
      %get3A_872 = arith.index_cast %get3A_871 : i32 to index
      %get3A_873 = arith.constant 0 : index
      %get3A_874 = tpu.vector_load %arg6[%get3A_872, %get3A_873] {strides = array<i32>} : memref<4x128xf32, #tpu.memory_space<vmem>>, vector<1x16xf32>,
      %get3A_875 = vector.shape_cast %get3A_874 : vector<1x16xf32> to vector<16xf32>
      %get3A_876 = arith.constant 3 : i32
      %get3A_877 = arith.index_cast %get3A_876 : i32 to index
      %get3A_878 = arith.constant 0 : index
      %get3A_879 = tpu.vector_load %arg6[%get3A_877, %get3A_878] {strides = array<i32>} : memref<4x128xf32, #tpu.memory_space<vmem>>, vector<1x16xf32>,
      %get3A_880 = vector.shape_cast %get3A_879 : vector<1x16xf32> to vector<16xf32>
      %mul3A_881 = arith.mulf %gather3A_824, %get3A_865 : vector<16xf32>
      %mul3A_882 = arith.mulf %gather3A_836, %get3A_870 : vector<16xf32>
      %add3A_883 = arith.addf %mul3A_881, %mul3A_882 : vector<16xf32>
      %mul3A_884 = arith.mulf %gather3A_848, %get3A_875 : vector<16xf32>
      %add3A_885 = arith.addf %add3A_883, %mul3A_884 : vector<16xf32>
      %mul3A_886 = arith.mulf %gather3A_860, %get3A_880 : vector<16xf32>
      %add3A_887 = arith.addf %add3A_885, %mul3A_886 : vector<16xf32>
      %swap3A_888 = arith.constant 2 : i32
      %swap3A_889 = arith.index_cast %swap3A_888 : i32 to index
      %swap3A_890 = arith.constant 0 : index
      %swap3A_891 = tpu.vector_load %arg9[%swap3A_889, %swap3A_890] {strides = array<i32>} : memref<3x128xf32, #tpu.memory_space<vmem>>, vector<1x16xf32>,
      %swap3A_892 = vector.shape_cast %swap3A_891 : vector<1x16xf32> to vector<16xf32>
      %swap3A_893 = vector.shape_cast %add3A_887 : vector<16xf32> to vector<1x16xf32>
      tpu.vector_store %arg9[%swap3A_889, %swap3A_890], %swap3A_893 {strides = array<i32>} : memref<3x128xf32, #tpu.memory_space<vmem>>, vector<1x16xf32>,
      %get3A_894 = arith.constant 0 : i32
      %get3A_895 = arith.index_cast %get3A_894 : i32 to index
      %get3A_896 = arith.constant 16 : index
      %get3A_897 = tpu.vector_load %arg6[%get3A_895, %get3A_896] {strides = array<i32>} : memref<4x128xf32, #tpu.memory_space<vmem>>, vector<1x16xf32>,
      %get3A_898 = vector.shape_cast %get3A_897 : vector<1x16xf32> to vector<16xf32>
      %get3A_899 = arith.constant 1 : i32
      %get3A_900 = arith.index_cast %get3A_899 : i32 to index
      %get3A_901 = arith.constant 16 : index
      %get3A_902 = tpu.vector_load %arg6[%get3A_900, %get3A_901] {strides = array<i32>} : memref<4x128xf32, #tpu.memory_space<vmem>>, vector<1x16xf32>,
      %get3A_903 = vector.shape_cast %get3A_902 : vector<1x16xf32> to vector<16xf32>
      %get3A_904 = arith.constant 2 : i32
      %get3A_905 = arith.index_cast %get3A_904 : i32 to index
      %get3A_906 = arith.constant 16 : index
      %get3A_907 = tpu.vector_load %arg6[%get3A_905, %get3A_906] {strides = array<i32>} : memref<4x128xf32, #tpu.memory_space<vmem>>, vector<1x16xf32>,
      %get3A_908 = vector.shape_cast %get3A_907 : vector<1x16xf32> to vector<16xf32>
      %get3A_909 = arith.constant 3 : i32
      %get3A_910 = arith.index_cast %get3A_909 : i32 to index
      %get3A_911 = arith.constant 16 : index
      %get3A_912 = tpu.vector_load %arg6[%get3A_910, %get3A_911] {strides = array<i32>} : memref<4x128xf32, #tpu.memory_space<vmem>>, vector<1x16xf32>,
      %get3A_913 = vector.shape_cast %get3A_912 : vector<1x16xf32> to vector<16xf32>
      %mul3A_914 = arith.mulf %gather3A_824, %get3A_898 : vector<16xf32>
      %mul3A_915 = arith.mulf %gather3A_836, %get3A_903 : vector<16xf32>
      %add3A_916 = arith.addf %mul3A_914, %mul3A_915 : vector<16xf32>
      %mul3A_917 = arith.mulf %gather3A_848, %get3A_908 : vector<16xf32>
      %add3A_918 = arith.addf %add3A_916, %mul3A_917 : vector<16xf32>
      %mul3A_919 = arith.mulf %gather3A_860, %get3A_913 : vector<16xf32>
      %add3A_920 = arith.addf %add3A_918, %mul3A_919 : vector<16xf32>
      %swap3A_921 = arith.constant 2 : i32
      %swap3A_922 = arith.index_cast %swap3A_921 : i32 to index
      %swap3A_923 = arith.constant 16 : index
      %swap3A_924 = tpu.vector_load %arg9[%swap3A_922, %swap3A_923] {strides = array<i32>} : memref<3x128xf32, #tpu.memory_space<vmem>>, vector<1x16xf32>,
      %swap3A_925 = vector.shape_cast %swap3A_924 : vector<1x16xf32> to vector<16xf32>
      %swap3A_926 = vector.shape_cast %add3A_920 : vector<16xf32> to vector<1x16xf32>
      tpu.vector_store %arg9[%swap3A_922, %swap3A_923], %swap3A_926 {strides = array<i32>} : memref<3x128xf32, #tpu.memory_space<vmem>>, vector<1x16xf32>,
      %get3A_927 = arith.constant 0 : i32
      %get3A_928 = arith.index_cast %get3A_927 : i32 to index
      %get3A_929 = arith.constant 32 : index
      %get3A_930 = tpu.vector_load %arg6[%get3A_928, %get3A_929] {strides = array<i32>} : memref<4x128xf32, #tpu.memory_space<vmem>>, vector<1x16xf32>,
      %get3A_931 = vector.shape_cast %get3A_930 : vector<1x16xf32> to vector<16xf32>
      %get3A_932 = arith.constant 1 : i32
      %get3A_933 = arith.index_cast %get3A_932 : i32 to index
      %get3A_934 = arith.constant 32 : index
      %get3A_935 = tpu.vector_load %arg6[%get3A_933, %get3A_934] {strides = array<i32>} : memref<4x128xf32, #tpu.memory_space<vmem>>, vector<1x16xf32>,
      %get3A_936 = vector.shape_cast %get3A_935 : vector<1x16xf32> to vector<16xf32>
      %get3A_937 = arith.constant 2 : i32
      %get3A_938 = arith.index_cast %get3A_937 : i32 to index
      %get3A_939 = arith.constant 32 : index
      %get3A_940 = tpu.vector_load %arg6[%get3A_938, %get3A_939] {strides = array<i32>} : memref<4x128xf32, #tpu.memory_space<vmem>>, vector<1x16xf32>,
      %get3A_941 = vector.shape_cast %get3A_940 : vector<1x16xf32> to vector<16xf32>
      %get3A_942 = arith.constant 3 : i32
      %get3A_943 = arith.index_cast %get3A_942 : i32 to index
      %get3A_944 = arith.constant 32 : index
      %get3A_945 = tpu.vector_load %arg6[%get3A_943, %get3A_944] {strides = array<i32>} : memref<4x128xf32, #tpu.memory_space<vmem>>, vector<1x16xf32>,
      %get3A_946 = vector.shape_cast %get3A_945 : vector<1x16xf32> to vector<16xf32>
      %mul3A_947 = arith.mulf %gather3A_824, %get3A_931 : vector<16xf32>
      %mul3A_948 = arith.mulf %gather3A_836, %get3A_936 : vector<16xf32>
      %add3A_949 = arith.addf %mul3A_947, %mul3A_948 : vector<16xf32>
      %mul3A_950 = arith.mulf %gather3A_848, %get3A_941 : vector<16xf32>
      %add3A_951 = arith.addf %add3A_949, %mul3A_950 : vector<16xf32>
      %mul3A_952 = arith.mulf %gather3A_860, %get3A_946 : vector<16xf32>
      %add3A_953 = arith.addf %add3A_951, %mul3A_952 : vector<16xf32>
      %swap3A_954 = arith.constant 2 : i32
      %swap3A_955 = arith.index_cast %swap3A_954 : i32 to index
      %swap3A_956 = arith.constant 32 : index
      %swap3A_957 = tpu.vector_load %arg9[%swap3A_955, %swap3A_956] {strides = array<i32>} : memref<3x128xf32, #tpu.memory_space<vmem>>, vector<1x16xf32>,
      %swap3A_958 = vector.shape_cast %swap3A_957 : vector<1x16xf32> to vector<16xf32>
      %swap3A_959 = vector.shape_cast %add3A_953 : vector<16xf32> to vector<1x16xf32>
      tpu.vector_store %arg9[%swap3A_955, %swap3A_956], %swap3A_959 {strides = array<i32>} : memref<3x128xf32, #tpu.memory_space<vmem>>, vector<1x16xf32>,
      %get3A_960 = arith.constant 0 : i32
      %get3A_961 = arith.index_cast %get3A_960 : i32 to index
      %get3A_962 = arith.constant 48 : index
      %get3A_963 = tpu.vector_load %arg6[%get3A_961, %get3A_962] {strides = array<i32>} : memref<4x128xf32, #tpu.memory_space<vmem>>, vector<1x16xf32>,
      %get3A_964 = vector.shape_cast %get3A_963 : vector<1x16xf32> to vector<16xf32>
      %get3A_965 = arith.constant 1 : i32
      %get3A_966 = arith.index_cast %get3A_965 : i32 to index
      %get3A_967 = arith.constant 48 : index
      %get3A_968 = tpu.vector_load %arg6[%get3A_966, %get3A_967] {strides = array<i32>} : memref<4x128xf32, #tpu.memory_space<vmem>>, vector<1x16xf32>,
      %get3A_969 = vector.shape_cast %get3A_968 : vector<1x16xf32> to vector<16xf32>
      %get3A_970 = arith.constant 2 : i32
      %get3A_971 = arith.index_cast %get3A_970 : i32 to index
      %get3A_972 = arith.constant 48 : index
      %get3A_973 = tpu.vector_load %arg6[%get3A_971, %get3A_972] {strides = array<i32>} : memref<4x128xf32, #tpu.memory_space<vmem>>, vector<1x16xf32>,
      %get3A_974 = vector.shape_cast %get3A_973 : vector<1x16xf32> to vector<16xf32>
      %get3A_975 = arith.constant 3 : i32
      %get3A_976 = arith.index_cast %get3A_975 : i32 to index
      %get3A_977 = arith.constant 48 : index
      %get3A_978 = tpu.vector_load %arg6[%get3A_976, %get3A_977] {strides = array<i32>} : memref<4x128xf32, #tpu.memory_space<vmem>>, vector<1x16xf32>,
      %get3A_979 = vector.shape_cast %get3A_978 : vector<1x16xf32> to vector<16xf32>
      %mul3A_980 = arith.mulf %gather3A_824, %get3A_964 : vector<16xf32>
      %mul3A_981 = arith.mulf %gather3A_836, %get3A_969 : vector<16xf32>
      %add3A_982 = arith.addf %mul3A_980, %mul3A_981 : vector<16xf32>
      %mul3A_983 = arith.mulf %gather3A_848, %get3A_974 : vector<16xf32>
      %add3A_984 = arith.addf %add3A_982, %mul3A_983 : vector<16xf32>
      %mul3A_985 = arith.mulf %gather3A_860, %get3A_979 : vector<16xf32>
      %add3A_986 = arith.addf %add3A_984, %mul3A_985 : vector<16xf32>
      %swap3A_987 = arith.constant 2 : i32
      %swap3A_988 = arith.index_cast %swap3A_987 : i32 to index
      %swap3A_989 = arith.constant 48 : index
      %swap3A_990 = tpu.vector_load %arg9[%swap3A_988, %swap3A_989] {strides = array<i32>} : memref<3x128xf32, #tpu.memory_space<vmem>>, vector<1x16xf32>,
      %swap3A_991 = vector.shape_cast %swap3A_990 : vector<1x16xf32> to vector<16xf32>
      %swap3A_992 = vector.shape_cast %add3A_986 : vector<16xf32> to vector<1x16xf32>
      tpu.vector_store %arg9[%swap3A_988, %swap3A_989], %swap3A_992 {strides = array<i32>} : memref<3x128xf32, #tpu.memory_space<vmem>>, vector<1x16xf32>,
      %get3A_993 = arith.constant 0 : i32
      %get3A_994 = arith.index_cast %get3A_993 : i32 to index
      %get3A_995 = arith.constant 64 : index
      %get3A_996 = tpu.vector_load %arg6[%get3A_994, %get3A_995] {strides = array<i32>} : memref<4x128xf32, #tpu.memory_space<vmem>>, vector<1x16xf32>,
      %get3A_997 = vector.shape_cast %get3A_996 : vector<1x16xf32> to vector<16xf32>
      %get3A_998 = arith.constant 1 : i32
      %get3A_999 = arith.index_cast %get3A_998 : i32 to index
      %get3A_1000 = arith.constant 64 : index
      %get3A_1001 = tpu.vector_load %arg6[%get3A_999, %get3A_1000] {strides = array<i32>} : memref<4x128xf32, #tpu.memory_space<vmem>>, vector<1x16xf32>,
      %get3A_1002 = vector.shape_cast %get3A_1001 : vector<1x16xf32> to vector<16xf32>
      %get3A_1003 = arith.constant 2 : i32
      %get3A_1004 = arith.index_cast %get3A_1003 : i32 to index
      %get3A_1005 = arith.constant 64 : index
      %get3A_1006 = tpu.vector_load %arg6[%get3A_1004, %get3A_1005] {strides = array<i32>} : memref<4x128xf32, #tpu.memory_space<vmem>>, vector<1x16xf32>,
      %get3A_1007 = vector.shape_cast %get3A_1006 : vector<1x16xf32> to vector<16xf32>
      %get3A_1008 = arith.constant 3 : i32
      %get3A_1009 = arith.index_cast %get3A_1008 : i32 to index
      %get3A_1010 = arith.constant 64 : index
      %get3A_1011 = tpu.vector_load %arg6[%get3A_1009, %get3A_1010] {strides = array<i32>} : memref<4x128xf32, #tpu.memory_space<vmem>>, vector<1x16xf32>,
      %get3A_1012 = vector.shape_cast %get3A_1011 : vector<1x16xf32> to vector<16xf32>
      %mul3A_1013 = arith.mulf %gather3A_824, %get3A_997 : vector<16xf32>
      %mul3A_1014 = arith.mulf %gather3A_836, %get3A_1002 : vector<16xf32>
      %add3A_1015 = arith.addf %mul3A_1013, %mul3A_1014 : vector<16xf32>
      %mul3A_1016 = arith.mulf %gather3A_848, %get3A_1007 : vector<16xf32>
      %add3A_1017 = arith.addf %add3A_1015, %mul3A_1016 : vector<16xf32>
      %mul3A_1018 = arith.mulf %gather3A_860, %get3A_1012 : vector<16xf32>
      %add3A_1019 = arith.addf %add3A_1017, %mul3A_1018 : vector<16xf32>
      %swap3A_1020 = arith.constant 2 : i32
      %swap3A_1021 = arith.index_cast %swap3A_1020 : i32 to index
      %swap3A_1022 = arith.constant 64 : index
      %swap3A_1023 = tpu.vector_load %arg9[%swap3A_1021, %swap3A_1022] {strides = array<i32>} : memref<3x128xf32, #tpu.memory_space<vmem>>, vector<1x16xf32>,
      %swap3A_1024 = vector.shape_cast %swap3A_1023 : vector<1x16xf32> to vector<16xf32>
      %swap3A_1025 = vector.shape_cast %add3A_1019 : vector<16xf32> to vector<1x16xf32>
      tpu.vector_store %arg9[%swap3A_1021, %swap3A_1022], %swap3A_1025 {strides = array<i32>} : memref<3x128xf32, #tpu.memory_space<vmem>>, vector<1x16xf32>,
      %get3A_1026 = arith.constant 0 : i32
      %get3A_1027 = arith.index_cast %get3A_1026 : i32 to index
      %get3A_1028 = arith.constant 80 : index
      %get3A_1029 = tpu.vector_load %arg6[%get3A_1027, %get3A_1028] {strides = array<i32>} : memref<4x128xf32, #tpu.memory_space<vmem>>, vector<1x16xf32>,
      %get3A_1030 = vector.shape_cast %get3A_1029 : vector<1x16xf32> to vector<16xf32>
      %get3A_1031 = arith.constant 1 : i32
      %get3A_1032 = arith.index_cast %get3A_1031 : i32 to index
      %get3A_1033 = arith.constant 80 : index
      %get3A_1034 = tpu.vector_load %arg6[%get3A_1032, %get3A_1033] {strides = array<i32>} : memref<4x128xf32, #tpu.memory_space<vmem>>, vector<1x16xf32>,
      %get3A_1035 = vector.shape_cast %get3A_1034 : vector<1x16xf32> to vector<16xf32>
      %get3A_1036 = arith.constant 2 : i32
      %get3A_1037 = arith.index_cast %get3A_1036 : i32 to index
      %get3A_1038 = arith.constant 80 : index
      %get3A_1039 = tpu.vector_load %arg6[%get3A_1037, %get3A_1038] {strides = array<i32>} : memref<4x128xf32, #tpu.memory_space<vmem>>, vector<1x16xf32>,
      %get3A_1040 = vector.shape_cast %get3A_1039 : vector<1x16xf32> to vector<16xf32>
      %get3A_1041 = arith.constant 3 : i32
      %get3A_1042 = arith.index_cast %get3A_1041 : i32 to index
      %get3A_1043 = arith.constant 80 : index
      %get3A_1044 = tpu.vector_load %arg6[%get3A_1042, %get3A_1043] {strides = array<i32>} : memref<4x128xf32, #tpu.memory_space<vmem>>, vector<1x16xf32>,
      %get3A_1045 = vector.shape_cast %get3A_1044 : vector<1x16xf32> to vector<16xf32>
      %mul3A_1046 = arith.mulf %gather3A_824, %get3A_1030 : vector<16xf32>
      %mul3A_1047 = arith.mulf %gather3A_836, %get3A_1035 : vector<16xf32>
      %add3A_1048 = arith.addf %mul3A_1046, %mul3A_1047 : vector<16xf32>
      %mul3A_1049 = arith.mulf %gather3A_848, %get3A_1040 : vector<16xf32>
      %add3A_1050 = arith.addf %add3A_1048, %mul3A_1049 : vector<16xf32>
      %mul3A_1051 = arith.mulf %gather3A_860, %get3A_1045 : vector<16xf32>
      %add3A_1052 = arith.addf %add3A_1050, %mul3A_1051 : vector<16xf32>
      %swap3A_1053 = arith.constant 2 : i32
      %swap3A_1054 = arith.index_cast %swap3A_1053 : i32 to index
      %swap3A_1055 = arith.constant 80 : index
      %swap3A_1056 = tpu.vector_load %arg9[%swap3A_1054, %swap3A_1055] {strides = array<i32>} : memref<3x128xf32, #tpu.memory_space<vmem>>, vector<1x16xf32>,
      %swap3A_1057 = vector.shape_cast %swap3A_1056 : vector<1x16xf32> to vector<16xf32>
      %swap3A_1058 = vector.shape_cast %add3A_1052 : vector<16xf32> to vector<1x16xf32>
      tpu.vector_store %arg9[%swap3A_1054, %swap3A_1055], %swap3A_1058 {strides = array<i32>} : memref<3x128xf32, #tpu.memory_space<vmem>>, vector<1x16xf32>,
      %get3A_1059 = arith.constant 0 : i32
      %get3A_1060 = arith.index_cast %get3A_1059 : i32 to index
      %get3A_1061 = arith.constant 96 : index
      %get3A_1062 = tpu.vector_load %arg6[%get3A_1060, %get3A_1061] {strides = array<i32>} : memref<4x128xf32, #tpu.memory_space<vmem>>, vector<1x16xf32>,
      %get3A_1063 = vector.shape_cast %get3A_1062 : vector<1x16xf32> to vector<16xf32>
      %get3A_1064 = arith.constant 1 : i32
      %get3A_1065 = arith.index_cast %get3A_1064 : i32 to index
      %get3A_1066 = arith.constant 96 : index
      %get3A_1067 = tpu.vector_load %arg6[%get3A_1065, %get3A_1066] {strides = array<i32>} : memref<4x128xf32, #tpu.memory_space<vmem>>, vector<1x16xf32>,
      %get3A_1068 = vector.shape_cast %get3A_1067 : vector<1x16xf32> to vector<16xf32>
      %get3A_1069 = arith.constant 2 : i32
      %get3A_1070 = arith.index_cast %get3A_1069 : i32 to index
      %get3A_1071 = arith.constant 96 : index
      %get3A_1072 = tpu.vector_load %arg6[%get3A_1070, %get3A_1071] {strides = array<i32>} : memref<4x128xf32, #tpu.memory_space<vmem>>, vector<1x16xf32>,
      %get3A_1073 = vector.shape_cast %get3A_1072 : vector<1x16xf32> to vector<16xf32>
      %get3A_1074 = arith.constant 3 : i32
      %get3A_1075 = arith.index_cast %get3A_1074 : i32 to index
      %get3A_1076 = arith.constant 96 : index
      %get3A_1077 = tpu.vector_load %arg6[%get3A_1075, %get3A_1076] {strides = array<i32>} : memref<4x128xf32, #tpu.memory_space<vmem>>, vector<1x16xf32>,
      %get3A_1078 = vector.shape_cast %get3A_1077 : vector<1x16xf32> to vector<16xf32>
      %mul3A_1079 = arith.mulf %gather3A_824, %get3A_1063 : vector<16xf32>
      %mul3A_1080 = arith.mulf %gather3A_836, %get3A_1068 : vector<16xf32>
      %add3A_1081 = arith.addf %mul3A_1079, %mul3A_1080 : vector<16xf32>
      %mul3A_1082 = arith.mulf %gather3A_848, %get3A_1073 : vector<16xf32>
      %add3A_1083 = arith.addf %add3A_1081, %mul3A_1082 : vector<16xf32>
      %mul3A_1084 = arith.mulf %gather3A_860, %get3A_1078 : vector<16xf32>
      %add3A_1085 = arith.addf %add3A_1083, %mul3A_1084 : vector<16xf32>
      %swap3A_1086 = arith.constant 2 : i32
      %swap3A_1087 = arith.index_cast %swap3A_1086 : i32 to index
      %swap3A_1088 = arith.constant 96 : index
      %swap3A_1089 = tpu.vector_load %arg9[%swap3A_1087, %swap3A_1088] {strides = array<i32>} : memref<3x128xf32, #tpu.memory_space<vmem>>, vector<1x16xf32>,
      %swap3A_1090 = vector.shape_cast %swap3A_1089 : vector<1x16xf32> to vector<16xf32>
      %swap3A_1091 = vector.shape_cast %add3A_1085 : vector<16xf32> to vector<1x16xf32>
      tpu.vector_store %arg9[%swap3A_1087, %swap3A_1088], %swap3A_1091 {strides = array<i32>} : memref<3x128xf32, #tpu.memory_space<vmem>>, vector<1x16xf32>,
      %get3A_1092 = arith.constant 0 : i32
      %get3A_1093 = arith.index_cast %get3A_1092 : i32 to index
      %get3A_1094 = arith.constant 112 : index
      %get3A_1095 = tpu.vector_load %arg6[%get3A_1093, %get3A_1094] {strides = array<i32>} : memref<4x128xf32, #tpu.memory_space<vmem>>, vector<1x16xf32>,
      %get3A_1096 = vector.shape_cast %get3A_1095 : vector<1x16xf32> to vector<16xf32>
      %get3A_1097 = arith.constant 1 : i32
      %get3A_1098 = arith.index_cast %get3A_1097 : i32 to index
      %get3A_1099 = arith.constant 112 : index
      %get3A_1100 = tpu.vector_load %arg6[%get3A_1098, %get3A_1099] {strides = array<i32>} : memref<4x128xf32, #tpu.memory_space<vmem>>, vector<1x16xf32>,
      %get3A_1101 = vector.shape_cast %get3A_1100 : vector<1x16xf32> to vector<16xf32>
      %get3A_1102 = arith.constant 2 : i32
      %get3A_1103 = arith.index_cast %get3A_1102 : i32 to index
      %get3A_1104 = arith.constant 112 : index
      %get3A_1105 = tpu.vector_load %arg6[%get3A_1103, %get3A_1104] {strides = array<i32>} : memref<4x128xf32, #tpu.memory_space<vmem>>, vector<1x16xf32>,
      %get3A_1106 = vector.shape_cast %get3A_1105 : vector<1x16xf32> to vector<16xf32>
      %get3A_1107 = arith.constant 3 : i32
      %get3A_1108 = arith.index_cast %get3A_1107 : i32 to index
      %get3A_1109 = arith.constant 112 : index
      %get3A_1110 = tpu.vector_load %arg6[%get3A_1108, %get3A_1109] {strides = array<i32>} : memref<4x128xf32, #tpu.memory_space<vmem>>, vector<1x16xf32>,
      %get3A_1111 = vector.shape_cast %get3A_1110 : vector<1x16xf32> to vector<16xf32>
      %mul3A_1112 = arith.mulf %gather3A_824, %get3A_1096 : vector<16xf32>
      %mul3A_1113 = arith.mulf %gather3A_836, %get3A_1101 : vector<16xf32>
      %add3A_1114 = arith.addf %mul3A_1112, %mul3A_1113 : vector<16xf32>
      %mul3A_1115 = arith.mulf %gather3A_848, %get3A_1106 : vector<16xf32>
      %add3A_1116 = arith.addf %add3A_1114, %mul3A_1115 : vector<16xf32>
      %mul3A_1117 = arith.mulf %gather3A_860, %get3A_1111 : vector<16xf32>
      %add3A_1118 = arith.addf %add3A_1116, %mul3A_1117 : vector<16xf32>
      %swap3A_1119 = arith.constant 2 : i32
      %swap3A_1120 = arith.index_cast %swap3A_1119 : i32 to index
      %swap3A_1121 = arith.constant 112 : index
      %swap3A_1122 = tpu.vector_load %arg9[%swap3A_1120, %swap3A_1121] {strides = array<i32>} : memref<3x128xf32, #tpu.memory_space<vmem>>, vector<1x16xf32>,
      %swap3A_1123 = vector.shape_cast %swap3A_1122 : vector<1x16xf32> to vector<16xf32>
      %swap3A_1124 = vector.shape_cast %add3A_1118 : vector<16xf32> to vector<1x16xf32>
      tpu.vector_store %arg9[%swap3A_1120, %swap3A_1121], %swap3A_1124 {strides = array<i32>} : memref<3x128xf32, #tpu.memory_space<vmem>>, vector<1x16xf32>,
      %dma_start3A_1125 = arith.constant 0 : i32
      %dma_start3A_1126 = tpu.memref_slice %arg5[%dma_start3A_1125, %mul3A_2] : memref<3x1024xf32, #tpu.memory_space<hbm>> -> memref<3x128xf32, #tpu.memory_space<hbm>>
      %dma_start3A_1127 = arith.constant 0 : i32
      %dma_start3A_1128 = tpu.memref_slice %arg5[%dma_start3A_1127, %mul3A_2] : memref<3x1024xf32, #tpu.memory_space<hbm>> -> memref<3x128xf32, #tpu.memory_space<hbm>>
      tpu.enqueue_dma source(%arg9 : memref<3x128xf32, #tpu.memory_space<vmem>>) target(%dma_start3A_1128 : memref<3x128xf32, #tpu.memory_space<hbm>>) target_semaphore(%arg12 : memref<!tpu.dma_semaphore, #tpu.memory_space<semaphore_mem>>)
      %dma_wait3A_1129 = arith.constant 0 : i32
      %dma_wait3A_1130 = tpu.memref_slice %arg5[%dma_wait3A_1129, %mul3A_2] : memref<3x1024xf32, #tpu.memory_space<hbm>> -> memref<3x128xf32, #tpu.memory_space<hbm>>
      %dma_wait3A_1131 = arith.constant 0 : i32
      %dma_wait3A_1132 = tpu.memref_slice %arg5[%dma_wait3A_1131, %mul3A_2] : memref<3x1024xf32, #tpu.memory_space<hbm>> -> memref<3x128xf32, #tpu.memory_space<hbm>>
      tpu.wait_dma2 semaphore(%arg12 : memref<!tpu.dma_semaphore, #tpu.memory_space<semaphore_mem>>) src(%arg9 : memref<3x128xf32, #tpu.memory_space<vmem>>) dst(%dma_wait3A_1132 : memref<3x128xf32, #tpu.memory_space<hbm>>)
    } else {
    }
    return
  }
}

</mosaic_0001>

<sc_bundles>
// kernel: _spmm.3.cloned.1.call-start
scs
__scs_entry_jumppad:
0x0: {  	(pc) =	sbr.rel $0x88, $3  }
0x1: {  	(tag) =	ssettag $0x0;
	lr =	simm.s32 $0x1  }
0x2: {  	[smem:$0x3F9E] =	sst lr;
	_ =	strace $0xD0000000  }
0x3: {  	_ = 	snop  }
0x4: {  	_ = 	snop  }
0x5: {  	_ = 	snop  }
0x6: {  	_ = 	snop  }
0x7: {  	_ = 	snop  }
__scs_overlays_trampoline_lowered:
0x8: {  	[smem:$0x3FAD] =	sst s0  }
0x9: {  	[smem:$0x3FAE] =	sst s1  }
0xa: {  	[smem:$0x3FAF] =	sst s2  }
0xb: {  	[smem:$0x3FB0] =	sst s3  }
0xc: {  	[smem:$0x3FB1] =	sst s4  }
0xd: {  	[smem:$0x3FB2] =	sst s5  }
0xe: {  	[smem:$0x3FB3] =	sst s6  }
0xf: {  	[smem:$0x3FB4] =	sst s7  }
0x10: {  	[smem:$0x3FB5] =	sst s8  }
0x11: {  	[smem:$0x3FB6] =	sst s9;
	s0 =	simm.s32 @!p0 $0x0  }
0x12: {  	s1 =	sld [smem:$0x3F9C];
	s0 =	simm.s32 @p0 $0x1  }
0x13: {  	[smem:$0x3FB7] =	sst s0;
	s0 =	simm.s32 @!p1 $0x0  }
0x14: {  	s2 =	sld [smem:$0x3F9B];
	s0 =	simm.s32 @p1 $0x1  }
0x15: {  	[smem:$0x3FB8] =	sst s0;
	s0 =	simm.s32 @!p2 $0x0  }
0x16: {  	s3 =	sld [smem:$0x3FDB];
	s0 =	simm.s32 @p2 $0x1  }
0x17: {  	s4 =	simm.s32 $0x1BF5;
	[smem:$0x3FBA] =	sst s0  }
0x18: {  	s0 =	sld [smem:$0x3F9D];
	_ =	swait.ge [sflag:s4], $0x0  }
0x19: {  	s7 =	sld [smem:$0x3F9E]  }
0x1a: {  	s8 =	sadd.s32 $0xFFFFE003, lr  }
0x1b: {  	s9 =	sadd.s32 $0xFFFFFEF7, lr;
	s5 =	simm.s32 $0xFFFFFFFF;
	p2 =	slt.u32 s8, $0xFFFFF086  }
0x1c: {  	p1 =	slt.u32 s9, $0xF7A;
	s5 =	simm.s32 @!p2 $0x0  }
0x1d: {  	s5 =	simm.s32 @p1 $0x1;
	p0 =	seq.s32 s7, s2  }
0x1e: {  	s7 =	smul.u32 @!p0 $0xF7A, s2;
	p2 =	seq.s32 @!p0 s5, $0x0  }
0x1f: {  	s9 =	smul.u32 $0xF7A, s1;
	s8 =	simm.s32 @!p0 $0x1BF5;
	p2 =	por !p2, p0  }
0x20: {  	[sflag:s8] =	ssyncset.s32 @!p0 $0xFFFFF086;
	s6 =	sadd.s32 @!p0 s3, s7;
	s7 =	simm.s32 @!p0 $0x108  }
0x21: {  	s3 =	sadd.s32 s3, s9;
	s6 =	sadd.s32 @!p0 $0x88, s6;
	s7 =	simm.s32 @p2 $0x1082  }
0x22: {  	[simem:s7], [sflag:s8] =	dma.local @!p0 [hbm:s6], $0xF7A  }
0x23: {  	s9 =	sor.u32 $0xD0000000, s2;
	s6 =	simm.s32 $0x108;
	_ =	swait.ge @!p0 [sflag:s8], $0x0  }
0x24: {  	s3 =	sadd.s32 $0x88, s3;
	s6 =	simm.s32 @!p1 $0x1082;
	[sflag:s4] =	ssyncset.s32 $0xFFFFF086  }
0x25: {  	[simem:s6], [sflag:s4] =	dma.local [hbm:s3], $0xF7A  }
0x26: {  	[smem:$0x3F9E] =	sst s1;
	(tag) =	ssettag s2;
	_ =	strace s9  }
0x27: {  	s1 =	sld [smem:$0x3FAE]  }
0x28: {  	s2 =	sld [smem:$0x3FAF]  }
0x29: {  	s4 =	sld [smem:$0x3FB1]  }
0x2a: {  	p0 =	seq.s32 s5, $0x0;
	s5 =	sld [smem:$0x3FB2]  }
0x2b: {  	s6 =	sld [smem:$0x3FB3]  }
0x2c: {  	s7 =	sld [smem:$0x3FB4]  }
0x2d: {  	s3 =	simm.s32 $0x108;
	s8 =	sld [smem:$0x3FB5]  }
0x2e: {  	s3 =	simm.s32 @!p0 $0x1082;
	s9 =	sld [smem:$0x3FB6]  }
0x2f: {  	lr =	sadd.s32 s0, s3;
	s0 =	sld [smem:$0x3FAD]  }
0x30: {  	s3 =	sld [smem:$0x3FB0]  }
0x31: {  	[smem:$0x3FB9] =	sst s10  }
0x32: {  	s10 =	sld [smem:$0x3FB7];
	_ =	sdelay $0x3  }
0x33: {  	p0 =	seq.s32 s10, $0x1;
	s10 =	sld [smem:$0x3FB9];
	_ =	sdelay $0x3  }
0x34: {  	[smem:$0x3FB9] =	sst s10  }
0x35: {  	s10 =	sld [smem:$0x3FB8];
	_ =	sdelay $0x3  }
0x36: {  	p1 =	seq.s32 s10, $0x1;
	s10 =	sld [smem:$0x3FB9];
	_ =	sdelay $0x3  }
0x37: {  	[smem:$0x3FB9] =	sst s10  }
0x38: {  	s10 =	sld [smem:$0x3FBA]  }
0x39: {  	_ = 	snop;
	(pc) =	sbr.ind lr, $3  }
0x3a: {  	_ = 	snop  }
0x3b: {  	_ = 	snop  }
0x3c: {  	p2 =	seq.s32 s10, $0x1;
	s10 =	sld [smem:$0x3FB9]  }
0x3d: {  	_ =	shalt  }
0x3e: {  	_ =	shalt  }
0x3f: {  	_ =	shalt  }
0x40: {  	_ =	shalt  }
0x41: {  	_ =	shalt  }
0x42: {  	_ =	shalt  }
0x43: {  	_ =	shalt  }
0x44: {  	_ =	shalt  }
0x45: {  	_ =	shalt  }
0x46: {  	_ =	shalt  }
0x47: {  	_ =	shalt  }
0x48: {  	_ =	shalt  }
0x49: {  	_ =	shalt  }
0x4a: {  	_ =	shalt  }
0x4b: {  	_ =	shalt  }
0x4c: {  	_ =	shalt  }
0x4d: {  	_ =	shalt  }
0x4e: {  	_ =	shalt  }
0x4f: {  	_ =	shalt  }
0x50: {  	_ =	shalt  }
0x51: {  	_ =	shalt  }
0x52: {  	_ =	shalt  }
0x53: {  	_ =	shalt  }
0x54: {  	_ =	shalt  }
0x55: {  	_ =	shalt  }
0x56: {  	_ =	shalt  }
0x57: {  	_ =	shalt  }
0x58: {  	_ =	shalt  }
0x59: {  	_ =	shalt  }
0x5a: {  	_ =	shalt  }
0x5b: {  	_ =	shalt  }
0x5c: {  	_ =	shalt  }
0x5d: {  	_ =	shalt  }
0x5e: {  	_ =	shalt  }
0x5f: {  	_ =	shalt  }
0x60: {  	_ =	shalt  }
0x61: {  	_ =	shalt  }
0x62: {  	_ =	shalt  }
0x63: {  	_ =	shalt  }
0x64: {  	_ =	shalt  }
0x65: {  	_ =	shalt  }
0x66: {  	_ =	shalt  }
0x67: {  	_ =	shalt  }
0x68: {  	_ =	shalt  }
0x69: {  	_ =	shalt  }
0x6a: {  	_ =	shalt  }
0x6b: {  	_ =	shalt  }
0x6c: {  	_ =	shalt  }
0x6d: {  	_ =	shalt  }
0x6e: {  	_ =	shalt  }
0x6f: {  	_ =	shalt  }
0x70: {  	_ =	shalt  }
0x71: {  	_ =	shalt  }
0x72: {  	_ =	shalt  }
0x73: {  	_ =	shalt  }
0x74: {  	_ =	shalt  }
0x75: {  	_ =	shalt  }
0x76: {  	_ =	shalt  }
0x77: {  	_ =	shalt  }
0x78: {  	_ =	shalt  }
0x79: {  	_ =	shalt  }
0x7a: {  	_ =	shalt  }
0x7b: {  	_ =	shalt  }
0x7c: {  	_ =	shalt  }
0x7d: {  	_ =	shalt  }
0x7e: {  	_ =	shalt  }
0x7f: {  	_ =	shalt  }
0x80: {  	_ =	shalt  }
0x81: {  	_ =	shalt  }
0x82: {  	_ =	shalt  }
0x83: {  	_ =	shalt  }
0x84: {  	_ =	shalt  }
0x85: {  	_ =	shalt  }
0x86: {  	_ =	shalt  }
0x87: {  	_ =	shalt  }
.Lfunc_end0:
.L_simem_size_0:
called_computation_lowered:
.L_overlay_start_0:
0x88: {  	s0 =	sld [smem:$0x3FD9]  }
0x89: {  	s1 =	sld [smem:$0x3FFE];
	_ =	sdelay $0x3  }
0x8a: {  	s0 =	sadd.s32 s1, s0  }
0x8b: {  	[smem:$0x3FC5] =	sst s0  }
0x8c: {  	_ = 	snop  }
0x8d: {  	s0 =	sld [smem:$0x3FC9]  }
0x8e: {  	s17 =	sld [smem:$0x3FC8]  }
0x8f: {  	s2 =	sld [smem:$0x3FC7]  }
0x90: {  	s3 =	sld [smem:$0x3FD0];
	(tm) =	ssettm $0x1  }
0x91: {  	s4 =	sld [smem:$0x3FFB];
	_ =	sdelay $0x3  }
0x92: {  	_ =	strace s4  }
0x93: {  	s4 =	sld [smem:$0x3FFC];
	_ =	sdelay $0x3  }
0x94: {  	_ =	strace s4  }
0x95: {  	s4 =	sld [smem:$0x3FFD];
	_ =	sdelay $0x3  }
0x96: {  	_ =	strace s4  }
0x97: {  	_ =	strace $0x8FFFFFFF  }
0x98: {  	s18 =	sld [smem:$0x3FDB];
	_ =	sdelay $0x1  }
0x99: {  	s5 =	simm.s32 $_scs_section_size  }
0x9a: {  	s6 =	simm.s32 $_size__tile_overlayer_lowered;
	s7 =	simm.s32 $_tile_overlayer_lowered  }
0x9b: {  	s21 =	simm.s32 $0x1BFF;
	s20 =	sshll.u32 s7, $0x1;
	s4 =	sadd.s32 s5, s18  }
0x9c: {  	s8 =	simm.s32 $0x0;
	s19 =	sshll.u32 s6, $0x1;
	s6 =	sadd.s32 s20, s4  }
0x9d: {  	[timem:s8], [sflag:s21] =	dma.local [hbm:s6], s19  }
0x9e: {  	_ =	swait.ge [sflag:s21], s19  }
0x9f: {  	s5 =	ssub.s32 $0x0, s19;
	[sflag:s21] =	ssyncset.done $0x0  }
0xa0: {  	[sflag:s21] =	ssyncadd.s32 s5;
	_ =	sdelay $0x1  }
0xa1: {  	s22 =	simm.s32 $0x1B8B  }
0xa2: {  	_ =	swait.ge [sflag:s22], $0x1  }
0xa3: {  	[sflag:s22] =	ssyncset.done $0x0  }
0xa4: {  	s23 =	simm.s32 $0x1B8E;
	[sflag:s22] =	ssyncadd.s32 $0xFFFFFFFF  }
0xa5: {  	s24 =	simm.s32 $execute0_lowered;
	[smem:$0x3FD2] =	sst s23  }
0xa6: {  	s5 =	sshll.u32 s24, $0x1;
	_ =	strace $0x80000046;
	[dreg:$0x1] =	wrdreg $0xFFFFFFFF  }
0xa7: {  	s25 =	simm.s32 $_size_execute0_lowered;
	s4 =	sadd.s32 s4, s5;
	[dreg:$0x0] =	wrdreg $0x0  }
0xa8: {  	s5 =	sshll.u32 s25, $0x1;
	[dreg:$0x2] =	wrdreg s4  }
0xa9: {  	[dreg:$0x3] =	wrdreg s5  }
0xaa: {  	[dreg:$0x4] =	wrdreg $0xC0  }
0xab: {  	_ =	task [dreg:s8], $0x5FFFF  }
0xac: {  	[dreg:$0x1] =	wrdreg $0xFFFFFFFF  }
0xad: {  	[dreg:$0x0] =	wrdreg $0x60  }
0xae: {  	[dreg:$0x2] =	wrdreg s0  }
0xaf: {  	[dreg:$0x3] =	wrdreg s17  }
0xb0: {  	[dreg:$0x4] =	wrdreg s2  }
0xb1: {  	[dreg:$0x5] =	wrdreg s3  }
0xb2: {  	[dreg:$0x6] =	wrdreg $0x9  }
0xb3: {  	_ =	task.clear_ibuf [dreg:s8], $0x7FFFF;
	_ =	strace $0x90000046  }
0xb4: {  	s26 =	simm.s32 $0x9;
	_ =	strace $0x80000048  }
0xb5: {  	_ =	swait.ge [sflag:s26], $0x1  }
0xb6: {  	[sflag:s26] =	ssyncadd.s32 $0xFFFFFFFF  }
0xb7: {  	_ =	strace $0x90000048  }
0xb8: {  	_ =	sfence  }
0xb9: {  	s28 =	sld [smem:$0x0];
	_ =	sdelay $0x1  }
0xba: {  	s29 =	srdreg.scid  }
0xbb: {  	s30 =	sshll.u32 s29, $0xD;
	s31 =	sshrl.u32 s29, $0x2  }
0xbc: {  	s1 =	sand.u32 $0x1, s29;
	s2 =	sand.u32 $0x4000, s30;
	s0 =	sadd.s32 s31, s28  }
0xbd: {  	s1 =	sor.u32 s2, s1;
	s0 =	sshll.u32 s0, $0x11  }
0xbe: {  	s0 =	sor.u32 s0, s1  }
0xbf: {  	s0 =	sadd.s32 $0x8F2B, s0  }
0xc0: {  	[sflag:s0] =	ssyncadd.remote.s32 $0x1  }
0xc1: {  	_ =	sfence.sel $0xFFFF  }
0xc2: {  	[dreg:$0x0] =	wrdreg $0xFFFFFFFF;
	(pc) =	sbr.abs _section_cstart, $3  }
0xc3: {  	[dreg:$0x1] =	wrdreg $0xFFFFFFFF  }
0xc4: {  	_ =	task.clear_ibuf [dreg:s8], $0x2FFFF;
	_ =	strace $0x9FFFFFFF  }
0xc5: {  	(tm) =	ssettm $0x7FFFFFFF  }
tec
execute0_lowered:
.L_overlay_start_1:
0x0: {  	(tag) =	ssettag $0x1  }
0x1: {  	s1 =	stileid.u32  }
0x2: {  	s4 =	rddreg [dreg:$0x0];
	p0 =	sgt.u32 s1, $0x7  }
.Ltmp0:
0x3: {  	s7 =	rddreg [dreg:$0x1];
	(pc) =	sbr.rel @p0 .LBB2_2-.Ltmp0, $4  }
0x4: {  	s6 =	rddreg [dreg:$0x2]  }
0x5: {  	s3 =	rddreg [dreg:$0x3];
	s2 =	simm.s32 $0x0  }
0x6: {  	[smem:$0x7FF] =	sst s2  }
0x7: {  	s0 =	rddreg [dreg:$0x4];
	_ =	strace $0x80000047  }
0x8: {  	s5 =	sshll.u32 s1, $0x6  }
0x9: {  	s4 =	sadd.s32 s4, s5  }
0xa: {  	[tilespmem:s2], [sflag:$0x1] =	stream.linear.gather [hbm4b:s4+s2], $0x200, $0x38;
	[tilespmem:$0x500] =	vst v63  }
0xb: {  	s24 =	simm.s32 $0x200  }
0xc: {  	[tilespmem:s24], [sflag:$0x2] =	stream.linear.gather [hbm4b:s7+s2], $0xA, $0x38;
	[tilespmem:$0x500] =	vst v63  }
0xd: {  	s25 =	simm.s32 $0x280;
	s26 =	simm.s32 $0x2  }
0xe: {  	[tilespmem:s25], [sflag:$0x2] =	stream.linear.gather [hbm4b:s6+s2], $0x5, $0x38;
	[tilespmem:$0x500] =	vst v63  }
0xf: {  	_ =	swait.ge [sflag:s26], $0xA  }
0x10: {  	[sflag:s26] =	ssyncset.done $0x0  }
0x11: {  	[sflag:s26] =	ssyncadd.s32 $0xFFFFFFF6  }
0x12: {  	_ =	swait.ge [sflag:s26], $0x5  }
0x13: {  	[sflag:s26] =	ssyncset.done $0x0  }
0x14: {  	[sflag:s26] =	ssyncadd.s32 $0xFFFFFFFB  }
0x15: {  	s28 =	simm.s32 $0x1;
	v0 =	vld [tilespmem:$0x200]  }
0x16: {  	v1 =	vld [tilespmem:$0x280];
	_ =	swait.ge [sflag:s28], $0x200  }
0x17: {  	[sflag:s28] =	ssyncset.done $0x0  }
0x18: {  	[sflag:s28] =	ssyncadd.s32 $0xFFFFFE00  }
0x19: {  	v2 =	vld [tilespmem:$0x0]  }
0x1a: {  	v3 =	vld [tilespmem:$0x80]  }
0x1b: {  	v4 =	vld [tilespmem:$0x100]  }
0x1c: {  	v5 =	vld [tilespmem:$0x180]  }
0x1d: {  	v6 =	vld [tilespmem:$0x10]  }
0x1e: {  	v7 =	vld [tilespmem:$0x90]  }
0x1f: {  	v8 =	vld [tilespmem:$0x110]  }
0x20: {  	v9 =	vld [tilespmem:$0x190]  }
0x21: {  	v10 =	vld [tilespmem:$0x20]  }
0x22: {  	v11 =	vld [tilespmem:$0xA0]  }
0x23: {  	v12 =	vld [tilespmem:$0x120]  }
0x24: {  	v13 =	vld [tilespmem:$0x1A0]  }
0x25: {  	v14 =	vld [tilespmem:$0x30]  }
0x26: {  	v15 =	vld [tilespmem:$0xB0]  }
0x27: {  	v16 =	vimm.s32 $0xCBA98765;
	v17 =	vld [tilespmem:$0x130]  }
0x28: {  	v16 =	vunpack.c.l.s4.s8 v16;
	v18 =	vld [tilespmem:$0x1B0]  }
0x29: {  	v19 =	vld [tilespmem:$0x40]  }
0x2a: {  	v20 =	vimm.s32 $0xF0F0E0D;
	v16 =	vunpack.c.0.s8.s32 v16;
	v21 =	vld [tilespmem:$0xC0]  }
0x2b: {  	vm0 =	vcmask $0x1F00;
	v20 =	vunpack.c.0.s8.s32 v20;
	v22 =	vld [tilespmem:$0x140]  }
0x2c: {  	vm10 =	vcmask $0x2F20;
	v16 =	vnsel vm0, $0xF, v16;
	v23 =	vld [tilespmem:$0x1C0]  }
0x2d: {  	v16 =	vsel vm10, v20, v16;
	v20 =	vld [tilespmem:$0x50]  }
0x2e: {  	v24 =	vld [tilespmem:$0xD0];
	v16 =	vperm.xlane v0, v16  }
0x2f: {  	v25 =	vimm.s32 $0x0;
	v29 =	vimm.s32 $0x1;
	v26 =	vld [tilespmem:$0x150];
	v0 =	vshll.u32 v0, $0x2  }
0x30: {  	v31 =	vlaneseq.u32;
	v27 =	vld [tilespmem:$0x1D0];
	v56 =	vperm.xlane v1, v25;
	v0 =	vadd.s32 v16, v0  }
0x31: {  	v34 =	vimm.s32 $0x2;
	v30 =	vld [tilespmem:$0x60];
	v28 =	vperm.xlane v0, v25;
	v32 =	vperm.xlane v0, v29  }
0x32: {  	v38 =	vimm.s32 $0x3;
	v33 =	vld [tilespmem:$0xE0];
	v57 =	vperm.xlane v1, v29;
	v16 =	vadd.f32 $0.0e+00, v56  }
0x33: {  	v35 =	vld [tilespmem:$0x160];
	v58 =	vperm.xlane v0, v34;
	vm11 =	veq.s32 v28, v31;
	vm12 =	veq.s32 v32, v31  }
0x34: {  	v36 =	vld [tilespmem:$0x1E0];
	v37 =	vperm.xlane v1, v34;
	v16 =	vnsel vm11, $0x0, v16;
	v28 =	vnsel vm12, $0x0, v57  }
0x35: {  	v39 =	vld [tilespmem:$0x70];
	v59 =	vperm.xlane v0, v38;
	vm13 =	veq.s32 v58, v31;
	v16 =	vadd.f32 v28, v16  }
0x36: {  	v41 =	vimm.s32 $0x4;
	v42 =	vld [tilespmem:$0x170];
	v40 =	vperm.xlane v1, v38;
	v37 =	vnsel vm13, $0x0, v37  }
0x37: {  	v43 =	vld [tilespmem:$0x10];
	v0 =	vperm.xlane v0, v41;
	vm14 =	veq.s32 v59, v31;
	v16 =	vadd.f32 v37, v16  }
0x38: {  	v44 =	vld [tilespmem:$0x90];
	v1 =	vperm.xlane v1, v41;
	v60 =	vnsel vm14, $0x0, v40  }
0x39: {  	v45 =	vld [tilespmem:$0x110];
	vm15 =	veq.s32 v0, v31;
	v16 =	vadd.f32 v60, v16  }
0x3a: {  	v46 =	vld [tilespmem:$0x190];
	v0 =	vnsel vm15, $0x0, v1  }
0x3b: {  	v32 =	vld [tilespmem:$0xF0];
	v0 =	vadd.f32 v0, v16  }
0x3c: {  	v31 =	vld [tilespmem:$0x80]  }
0x3d: {  	v40 =	vld [tilespmem:$0x0];
	v25 =	vperm.xlane v0, v25;
	v29 =	vperm.xlane v0, v29  }
0x3e: {  	v28 =	vld [tilespmem:$0x1F0];
	v34 =	vperm.xlane v0, v34;
	v38 =	vperm.xlane v0, v38  }
0x3f: {  	v37 =	vld [tilespmem:$0x100];
	v61 =	vmul.f32 v2, v25;
	v62 =	vmul.f32 v3, v29  }
0x40: {  	v16 =	vld [tilespmem:$0x180];
	v63 =	vmul.f32 v6, v25;
	v47 =	vmul.f32 v7, v29  }
0x41: {  	v7 =	vld [tilespmem:$0x20];
	v48 =	vmul.f32 v4, v34;
	v5 =	vmul.f32 v5, v38  }
0x42: {  	v4 =	vld [tilespmem:$0xA0];
	v49 =	vmul.f32 v8, v34;
	v10 =	vmul.f32 v10, v25  }
0x43: {  	v8 =	vld [tilespmem:$0x120];
	v11 =	vmul.f32 v11, v29;
	v50 =	vmul.f32 v9, v38  }
0x44: {  	v9 =	vld [tilespmem:$0x30];
	v52 =	vmul.f32 v12, v34;
	v53 =	vmul.f32 v14, v25  }
0x45: {  	v54 =	vmul.f32 v15, v29;
	v12 =	vld [tilespmem:$0x130];
	v55 =	vmul.f32 v13, v38  }
0x46: {  	v56 =	vmul.f32 v17, v34;
	v14 =	vld [tilespmem:$0x1B0];
	v57 =	vmul.f32 v19, v25  }
0x47: {  	v58 =	vmul.f32 v21, v29;
	v19 =	vld [tilespmem:$0x40];
	v59 =	vmul.f32 v20, v25  }
0x48: {  	v60 =	vmul.f32 v24, v29;
	v20 =	vld [tilespmem:$0xC0];
	v18 =	vmul.f32 v18, v38  }
0x49: {  	v17 =	vld [tilespmem:$0x140];
	v30 =	vmul.f32 v30, v25;
	v33 =	vmul.f32 v33, v29;
	v1 =	vadd.f32 v62, v61  }
0x4a: {  	v21 =	vld [tilespmem:$0x1C0];
	v23 =	vmul.f32 v23, v38;
	v3 =	vadd.f32 v47, v63;
	v51 =	vadd.f32 v11, v10  }
0x4b: {  	v24 =	vld [tilespmem:$0x50];
	v28 =	vmul.f32 v28, v38;
	v6 =	vadd.f32 v54, v53;
	v61 =	vadd.f32 v58, v57  }
0x4c: {  	v47 =	vld [tilespmem:$0x1A0];
	v62 =	vmul.f32 v22, v34;
	v63 =	vmul.f32 v26, v34;
	v15 =	vadd.f32 v33, v30  }
0x4d: {  	v11 =	vld [tilespmem:$0xB0];
	v53 =	vmul.f32 v42, v34;
	v30 =	vperm.xlane v0, v41;
	v1 =	vadd.f32 v48, v1  }
0x4e: {  	v26 =	vld [tilespmem:$0xD0];
	v54 =	vimm.s32 $0x5;
	v3 =	vadd.f32 v49, v3;
	v6 =	vadd.f32 v56, v6  }
0x4f: {  	v22 =	vld [tilespmem:$0x150];
	v13 =	vadd.f32 v62, v61;
	v48 =	vmul.f32 v27, v38;
	v49 =	vmul.f32 v35, v34  }
0x50: {  	v33 =	vld [tilespmem:$0xE0];
	v56 =	vimm.s32 $0x7;
	v57 =	vmul.f32 v40, v30;
	v58 =	vmul.f32 v43, v30  }
0x51: {  	v41 =	vld [tilespmem:$0xF0];
	v34 =	vperm.xlane v0, v56;
	v7 =	vmul.f32 v7, v30;
	v2 =	vadd.f32 v5, v1  }
0x52: {  	v27 =	vld [tilespmem:$0x60];
	v9 =	vmul.f32 v9, v30;
	v1 =	vadd.f32 v50, v3;
	v5 =	vadd.f32 v52, v51  }
0x53: {  	v35 =	vld [tilespmem:$0x1E0];
	v6 =	vadd.f32 v18, v6;
	v50 =	vmul.f32 v36, v38;
	v51 =	vmul.f32 v39, v25  }
0x54: {  	v62 =	vld [tilespmem:$0x170];
	v13 =	vadd.f32 v23, v13;
	v52 =	vmul.f32 v32, v29;
	v32 =	vperm.xlane v0, v54  }
0x55: {  	v40 =	vld [tilespmem:$0x1F0];
	v15 =	vadd.f32 v49, v15;
	v16 =	vmul.f32 v16, v34;
	v43 =	vmul.f32 v46, v34  }
0x56: {  	v23 =	vld [tilespmem:$0x1D0];
	v46 =	vmul.f32 v19, v30;
	v14 =	vmul.f32 v14, v34;
	v3 =	vadd.f32 v55, v5  }
0x57: {  	v36 =	vld [tilespmem:$0x160];
	v5 =	vadd.f32 v60, v59;
	v31 =	vmul.f32 v31, v32;
	v59 =	vmul.f32 v44, v32  }
0x58: {  	v39 =	vld [tilespmem:$0x70];
	v55 =	vimm.s32 $0x6;
	v4 =	vmul.f32 v4, v32;
	v11 =	vmul.f32 v11, v32  }
0x59: {  	v38 =	vld [tilespmem:$0x80];
	v18 =	vadd.f32 v52, v51;
	v49 =	vmul.f32 v26, v32;
	v52 =	vmul.f32 v21, v34  }
0x5a: {  	v10 =	vadd.f32 v50, v15;
	v60 =	vld [tilespmem:$0xF0];
	v25 =	vperm.xlane v0, v55;
	v54 =	vmul.f32 v27, v30  }
0x5b: {  	v26 =	vld [tilespmem:$0x110];
	v55 =	vmul.f32 v33, v32;
	v5 =	vadd.f32 v63, v5;
	v18 =	vadd.f32 v53, v18  }
0x5c: {  	v21 =	vld [tilespmem:$0x30];
	v15 =	vadd.f32 v31, v57;
	v61 =	vmul.f32 v37, v25;
	v63 =	vmul.f32 v45, v25  }
0x5d: {  	v27 =	vld [tilespmem:$0x120];
	v29 =	vadd.f32 v59, v58;
	v44 =	vmul.f32 v8, v25;
	v45 =	vmul.f32 v47, v34  }
0x5e: {  	v33 =	vld [tilespmem:$0xB0];
	v4 =	vadd.f32 v4, v7;
	v12 =	vmul.f32 v12, v25;
	v47 =	vmul.f32 v20, v32  }
0x5f: {  	v31 =	vld [tilespmem:$0x0];
	v9 =	vadd.f32 v11, v9;
	v50 =	vmul.f32 v17, v25;
	v51 =	vmul.f32 v22, v25  }
0x60: {  	v8 =	vld [tilespmem:$0x100];
	v53 =	vmul.f32 v23, v34;
	v56 =	vadd.f32 v55, v54;
	v57 =	vmul.f32 v36, v25  }
0x61: {  	v20 =	vld [tilespmem:$0x90];
	v58 =	vmul.f32 v39, v30;
	v25 =	vmul.f32 v62, v25;
	v5 =	vadd.f32 v48, v5  }
0x62: {  	v17 =	vld [tilespmem:$0x190];
	v62 =	vimm.s32 $0xA;
	v18 =	vadd.f32 v28, v18;
	v15 =	vadd.f32 v61, v15  }
0x63: {  	v22 =	vld [tilespmem:$0x20];
	v48 =	vmul.f32 v24, v30;
	v42 =	vadd.f32 v63, v29;
	v4 =	vadd.f32 v44, v4  }
0x64: {  	v23 =	vld [tilespmem:$0xA0];
	v30 =	vperm.xlane v0, v62;
	v9 =	vadd.f32 v12, v9;
	v11 =	vadd.f32 v47, v46  }
0x65: {  	v37 =	vld [tilespmem:$0x130];
	v59 =	vmul.f32 v60, v32;
	v60 =	vimm.s32 $0x8;
	v61 =	vimm.s32 $0x9  }
0x66: {  	v39 =	vld [tilespmem:$0x40];
	v63 =	vimm.s32 $0xB;
	v7 =	vadd.f32 v49, v48;
	v32 =	vperm.xlane v0, v60  }
0x67: {  	v28 =	vld [tilespmem:$0x180];
	v36 =	vperm.xlane v0, v61;
	v0 =	vperm.xlane v0, v63;
	v15 =	vadd.f32 v16, v15  }
0x68: {  	v62 =	vld [tilespmem:$0x1D0];
	v16 =	vadd.f32 v43, v42;
	v11 =	vadd.f32 v50, v11;
	v50 =	vmul.f32 v35, v34  }
0x69: {  	v29 =	vld [tilespmem:$0x10];
	v4 =	vadd.f32 v45, v4;
	v44 =	vmul.f32 v31, v32;
	v45 =	vmul.f32 v38, v36  }
0x6a: {  	v12 =	vld [tilespmem:$0x1A0];
	v24 =	vadd.f32 v59, v58;
	v20 =	vmul.f32 v20, v36;
	v8 =	vmul.f32 v8, v30  }
0x6b: {  	[tilespmem:$0x300] =	vst v2;
	v46 =	vld [tilespmem:$0xC0];
	v7 =	vadd.f32 v51, v7;
	v51 =	vmul.f32 v40, v34;
	v58 =	vmul.f32 v17, v0  }
0x6c: {  	[tilespmem:$0x310] =	vst v1;
	v49 =	vld [tilespmem:$0x140];
	v9 =	vadd.f32 v14, v9;
	v60 =	vmul.f32 v22, v32;
	v61 =	vmul.f32 v23, v36  }
0x6d: {  	[tilespmem:$0x330] =	vst v6;
	v42 =	vld [tilespmem:$0x1B0];
	v43 =	vadd.f32 v57, v56;
	v63 =	vmul.f32 v21, v32;
	v34 =	vmul.f32 v37, v30  }
0x6e: {  	[tilespmem:$0x340] =	vst v13;
	v56 =	vld [tilespmem:$0xD0];
	v39 =	vmul.f32 v39, v32;
	v11 =	vadd.f32 v52, v11;
	v47 =	vadd.f32 v25, v24  }
0x6f: {  	[tilespmem:$0x320] =	vst v3;
	v59 =	vld [tilespmem:$0x150];
	v52 =	vmul.f32 v26, v30;
	v2 =	vadd.f32 v50, v43;
	v55 =	vmul.f32 v28, v0  }
0x70: {  	[tilespmem:$0x360] =	vst v10;
	v37 =	vld [tilespmem:$0x70];
	v24 =	vmul.f32 v33, v36;
	v7 =	vadd.f32 v53, v7;
	v48 =	vmul.f32 v29, v32  }
0x71: {  	[tilespmem:$0x350] =	vst v5;
	v28 =	vld [tilespmem:$0x60];
	v14 =	vadd.f32 v45, v44;
	v29 =	vmul.f32 v27, v30;
	v12 =	vmul.f32 v12, v0  }
0x72: {  	[tilespmem:$0x370] =	vst v18;
	v33 =	vld [tilespmem:$0xE0];
	v40 =	vmul.f32 v46, v36;
	v1 =	vadd.f32 v51, v47;
	v6 =	vadd.f32 v24, v63  }
0x73: {  	[tilespmem:$0x380] =	vst v15;
	v53 =	vld [tilespmem:$0x50];
	v44 =	vmul.f32 v49, v30;
	v20 =	vadd.f32 v20, v48;
	v54 =	vadd.f32 v8, v14  }
0x74: {  	[tilespmem:$0x390] =	vst v16;
	v45 =	vld [tilespmem:$0x170];
	v8 =	vadd.f32 v61, v60;
	v35 =	vmul.f32 v42, v0;
	v13 =	vmul.f32 v56, v36  }
0x75: {  	[tilespmem:$0x3A0] =	vst v4;
	v43 =	vld [tilespmem:$0x160];
	v47 =	vmul.f32 v59, v30;
	v61 =	vmul.f32 v62, v0;
	v6 =	vadd.f32 v34, v6  }
0x76: {  	v19 =	vld [tilespmem:$0x1C0];
	[tilespmem:$0x3B0] =	vst v9;
	v57 =	vadd.f32 v52, v20;
	v3 =	vadd.f32 v55, v54;
	v50 =	vmul.f32 v28, v32  }
0x77: {  	[tilespmem:$0x3C0] =	vst v11;
	v48 =	vld [tilespmem:$0x1E0];
	v38 =	vadd.f32 v29, v8;
	v51 =	vmul.f32 v33, v36;
	v54 =	vmul.f32 v37, v32  }
0x78: {  	[tilespmem:$0x3E0] =	vst v2;
	v8 =	vadd.f32 v40, v39;
	v55 =	vmul.f32 v41, v36;
	v42 =	vmul.f32 v53, v32  }
0x79: {  	[tilespmem:$0x3D0] =	vst v7;
	v52 =	vld [tilespmem:$0x1F0];
	v6 =	vadd.f32 v35, v6;
	v60 =	vmul.f32 v45, v30;
	v5 =	vadd.f32 v58, v57  }
0x7a: {  	[tilespmem:$0x3F0] =	vst v1;
	v4 =	vadd.f32 v12, v38;
	v56 =	vadd.f32 v51, v50;
	v58 =	vmul.f32 v43, v30  }
0x7b: {  	v49 =	vadd.f32 v44, v8;
	[tilespmem:$0x400] =	vst v3;
	v57 =	vmul.f32 v19, v0;
	v46 =	vadd.f32 v13, v42  }
0x7c: {  	v59 =	vadd.f32 v55, v54;
	v62 =	vmul.f32 v48, v0;
	[tilespmem:$0x430] =	vst v6;
	v3 =	vadd.f32 v58, v56  }
0x7d: {  	[tilespmem:$0x410] =	vst v5;
	v2 =	vadd.f32 v57, v49;
	v53 =	vadd.f32 v47, v46  }
0x7e: {  	[tilespmem:$0x420] =	vst v4;
	v5 =	vadd.f32 v60, v59;
	v0 =	vmul.f32 v52, v0;
	v63 =	vadd.f32 v62, v3  }
0x7f: {  	[tilespmem:$0x440] =	vst v2;
	v1 =	vadd.f32 v61, v53  }
0x80: {  	v0 =	vadd.f32 v0, v5;
	[tilespmem:$0x460] =	vst v63  }
0x81: {  	[tilespmem:$0x450] =	vst v1  }
0x82: {  	s29 =	simm.s32 $0x1000;
	s30 =	simm.s32 $0x300;
	s3 =	sadd.s32 s3, s5;
	[tilespmem:$0x470] =	vst v0  }
0x83: {  	[hbm4b:s3+s24] =	stream.strided.scatter [tilespmem:s30], [sflag:$0x3], $0x0, s29, s24, $0x38;
	[tilespmem:$0x500] =	vst v63  }
0x84: {  	s31 =	simm.s32 $0x3  }
0x85: {  	[hbm4b:s3+s2] =	stream.linear.scatter [tilespmem:s30], [sflag:$0x3], $0x180, $0x38;
	[tilespmem:$0x500] =	vst v63  }
0x86: {  	_ =	swait.ge [sflag:s31], $0x180  }
0x87: {  	[sflag:s31] =	ssyncset.done $0x0  }
0x88: {  	[sflag:s31] =	ssyncadd.s32 $0xFFFFFE80  }
.LBB2_2:
0x89: {  	_ =	sfence.sel $0x180000  }
0x8a: {  	[bflag:$0x0] =	sbarrier.arrive $0xFFFF  }
0x8b: {  	p0 =	sne.s32 s1, $0x0;
	_ =	strace $0x90000047  }
0x8c: {  	s0 =	sadd.s32 @!p0 $0x100000, s0;
	[bflag:$0x2] =	sbarrier.arrive $0xFFFF  }
0x8d: {  	[sflag:s0] =	ssyncadd.tile.s32 @!p0 $0x1;
	_ =	shalt  }
.Lfunc_end2:
_tile_overlayer_lowered:
.L_overlay_start_2:
0x8e: {  	(tag) =	ssettag $0x2  }
0x8f: {  	s0 =	rddreg [dreg:$0x0];
	s2 =	stileid.u32  }
0x90: {  	s1 =	rddreg [dreg:$0x1];
	p0 =	sne.s32 s2, $0x0  }
0x91: {  	s3 =	rddreg [dreg:$0x2];
	[bflag:$0x3] =	sbarrier.arrive $0xFFFF;
	s2 =	simm.s32 @!p0 $0x1C04  }
0x92: {  	[timem:s3], [sflag:s2] =	dma.local @!p0 [hbm:s0], s1  }
0x93: {  	s0 =	simm.s32 @!p0 $0x4  }
0x94: {  	_ =	swait.ge @!p0 [sflag:s0], s1  }
0x95: {  	s1 =	ssub.s32 @!p0 $0x0, s1;
	[sflag:s0] =	ssyncset.done @!p0 $0x0  }
0x96: {  	[sflag:s0] =	ssyncadd.s32 @!p0 s1  }
0x97: {  	[bflag:$0x3] =	sbarrier.arrive $0xFFFF  }
0x98: {  	_ =	shalt  }

</sc_bundles>
